<compile_context>
chip_gen: v7x
topology: tpu7x:2x2x1
jax: 0.10.2.dev20260603
libtpu: 0.0.44.dev20260713+nightly
codegen_flags: <defaults>
</compile_context>

<pallas_src>
import jax
import jax.numpy as jnp
from jax import lax
from jax.experimental import pallas as pl
from jax.experimental.pallas import tpu as pltpu
from jax.experimental.pallas import tpu_sc as plsc

_S = 7
_NCH = 30
_NCHP = 32
_BATCH = 128
_P = _S * _S
_NW = 16
_PPW = 4
_POS_F = _NCHP * _BATCH
_FPW = _PPW * _POS_F
_NG = _BATCH // 16
_L_COORD = 5.0
_L_NOOBJ = 0.5


def _sqrt16(x):
    i = plsc.bitcast(x, jnp.int32)
    i = jnp.int32(0x5F3759DF) - jnp.right_shift(i, 1)
    z = plsc.bitcast(i, jnp.float32)
    xh = 0.5 * x
    for _ in range(2):
        z = z * (1.5 - xh * z * z)
    return x * z


def _corners(cx, cy, w, h):
    x = cx * (1.0 / _S)
    y = cy * (1.0 / _S)
    return x - 0.5 * w, y - 0.5 * h, x + 0.5 * w, y + 0.5 * h


def _sc_body(pred_hbm, tgt_hbm, out_hbm, pred_v, tgt_v, acc_v, sem_p, sem_t):
    wid = lax.axis_index("s")
    k_lo = (_P * _NG * wid) // _NW
    k_hi = (_P * _NG * (wid + 1)) // _NW
    base_p = k_lo // _NG
    cp = pltpu.async_copy(
        pred_hbm.at[pl.ds(base_p * _POS_F, _FPW)], pred_v, sem_p)
    ct = pltpu.async_copy(
        tgt_hbm.at[pl.ds(base_p * _POS_F, _FPW)], tgt_v, sem_t)
    cp.wait()
    ct.wait()

    def unit_loss(k, acc):
            p = k // _NG
            g = k - p * _NG
            off = (p - base_p) * _POS_F + g * 16

            def gp(c):
                return pred_v[pl.ds(off + c * _BATCH, 16)]

            def gt(c):
                return tgt_v[pl.ds(off + c * _BATCH, 16)]

            t_x, t_y, t_w, t_h, t_conf = gt(0), gt(1), gt(2), gt(3), gt(4)
            tx1, ty1, tx2, ty2 = _corners(t_x, t_y, t_w, t_h)
            area_t = (tx2 - tx1) * (ty2 - ty1)

            def iou_parts(px, py, pw, ph):
                x1, y1, x2, y2 = _corners(px, py, pw, ph)
                iw = jnp.maximum(
                    jnp.minimum(x2, tx2) - jnp.maximum(x1, tx1), 0.0)
                ih = jnp.maximum(
                    jnp.minimum(y2, ty2) - jnp.maximum(y1, ty1), 0.0)
                inter = iw * ih
                area_p = (x2 - x1) * (y2 - y1)
                return inter, area_p + area_t - inter

            p0b = [gp(c) for c in range(5)]
            p1b = [gp(c) for c in range(5, 10)]
            in0, de0 = iou_parts(p0b[0], p0b[1], p0b[2], p0b[3])
            in1, de1 = iou_parts(p1b[0], p1b[1], p1b[2], p1b[3])
            sel = in1 * de0 > in0 * de1
            max_iou = jnp.where(sel, in1, in0) / jnp.where(sel, de1, de0)

            r = [jnp.where(sel, b1, b0) for b0, b1 in zip(p0b, p1b)]
            t1 = [gt(c) for c in range(5, 9)]
            tr = [jnp.where(sel, b1, b0)
                  for b0, b1 in zip((t_x, t_y, t_w, t_h), t1)]

            dx = r[0] - tr[0]
            dy = r[1] - tr[1]
            l_xy = dx * dx + dy * dy
            l_wh = (r[2] + tr[2] - 2.0 * _sqrt16(r[2] * tr[2])
                    + r[3] + tr[3] - 2.0 * _sqrt16(r[3] * tr[3]))
            do = r[4] - max_iou
            l_obj = do * do

            dn0 = p0b[4] - t_conf
            dn1 = p1b[4] - gt(9)
            l_noobj = dn0 * dn0 + dn1 * dn1

            l_cls = jnp.zeros((16,), jnp.float32)
            for c in range(10, 30):
                d = gp(c) - gt(c)
                l_cls = l_cls + d * d

            obj_f = jnp.where(t_conf > 0.0, 1.0, 0.0)
            noobj_f = jnp.where(t_conf == 0.0, 1.0, 0.0)
            cell = (obj_f * (_L_COORD * (l_xy + l_wh) + l_obj + l_cls)
                    + _L_NOOBJ * noobj_f * l_noobj)
            return acc + cell

    acc = lax.fori_loop(k_lo, k_hi, unit_loss,
                        jnp.zeros((16,), jnp.float32))
    acc_v[...] = acc
    pltpu.sync_copy(acc_v, out_hbm.at[wid])


@jax.jit
def kernel(pred_tensor, target_tensor):
    def prep(x):
        x = jnp.transpose(x, (1, 2, 3, 0)).reshape(_P, _NCH, _BATCH)
        z = jnp.zeros((_P, _NCHP - _NCH, _BATCH), jnp.float32)
        return jnp.concatenate([x, z], axis=1).reshape(_P * _POS_F)

    partials = pl.kernel(
        _sc_body,
        out_type=jax.ShapeDtypeStruct((_NW, 16), jnp.float32),
        mesh=plsc.VectorSubcoreMesh(core_axis_name="c", subcore_axis_name="s",
                                    num_cores=1, num_subcores=16),
        scratch_types=[
            pltpu.VMEM((_FPW,), jnp.float32),
            pltpu.VMEM((_FPW,), jnp.float32),
            pltpu.VMEM((16,), jnp.float32),
            pltpu.SemaphoreType.DMA,
            pltpu.SemaphoreType.DMA,
        ],
        compiler_params=pltpu.CompilerParams(needs_layout_passes=False),
    )(prep(pred_tensor), prep(target_tensor))
    return jnp.sum(partials) / float(_BATCH)

# --- scband reference (transcript-rebuilt; emitter-appended) ---
"""Pipeline reference for scband-yolov1-loss-v2-59124519797021 (READ-ONLY COPY).

The authoritative reference and input builder live on the scoring server;
editing this copy changes nothing except your own understanding.
"""

import jax, jax.numpy as jnp
import numpy as np

S = 7
B = 2
C = 20
N = 5 * B + C
I_COORD = 5.0
I_NOOBJ = 0.5
BATCH = 128


def _denorm(xywh):
    xy = xywh[..., :2] / float(S)
    wh = xywh[..., 2:4]
    return jnp.concatenate([xy - 0.5 * wh, xy + 0.5 * wh], axis=-1)


def _loss(pred, target):
    batch = pred.shape[0]
    pflat = pred.reshape(-1, N)
    tflat = target.reshape(-1, N)
    conf = tflat[:, 4]
    obj_mask = conf > 0
    noobj_mask = conf == 0
    # lambda_i^obj: cells containing an object (handled via masking)
    bbox_pred = pflat[:, :5 * B].reshape(-1, B, 5)
    bbox_target = tflat[:, :5 * B].reshape(-1, B, 5)
    # lambda_ij^obj: responsible box = argmax IoU vs (first) target box of the cell
    pred_xyxy = _denorm(bbox_pred)                # [M, B, 4]
    tgt_xyxy = _denorm(bbox_target[:, 0:1, :])    # [M, 1, 4]
    lt = jnp.maximum(pred_xyxy[..., :2], tgt_xyxy[..., :2])
    rb = jnp.minimum(pred_xyxy[..., 2:4], tgt_xyxy[..., 2:4])
    wh = jnp.clip(rb - lt, 0.0, None)
    inter = wh[..., 0] * wh[..., 1]
    area_p = (pred_xyxy[..., 2] - pred_xyxy[..., 0]) * (pred_xyxy[..., 3] - pred_xyxy[..., 1])
    area_t = (tgt_xyxy[..., 2] - tgt_xyxy[..., 0]) * (tgt_xyxy[..., 3] - tgt_xyxy[..., 1])
    iou = inter / (area_p + area_t - inter)  # [M, B]
    max_iou = jnp.max(iou, axis=1)
    max_idx = jnp.argmax(iou, axis=1)
    pred_resp = jnp.take_along_axis(bbox_pred, max_idx[:, None, None], axis=1)[:, 0, :]
    tgt_resp = jnp.take_along_axis(bbox_target, max_idx[:, None, None], axis=1)[:, 0, :]
    loss_wh = jnp.sum(jnp.where(
        obj_mask[:, None],
        (jnp.sqrt(pred_resp[:, 2:4]) - jnp.sqrt(tgt_resp[:, 2:4])) ** 2,
        0.0))
    loss_xy = jnp.sum(jnp.where(
        obj_mask[:, None],
        (pred_resp[:, :2] - tgt_resp[:, :2]) ** 2,
        0.0))
    loss_obj = jnp.sum(jnp.where(
        obj_mask,
        (pred_resp[:, 4] - jax.lax.stop_gradient(max_iou)) ** 2,
        0.0))
    # lambda_ij^noobj: confidence columns of no-object cells
    cols = jnp.array([4 + b * 5 for b in range(B)])
    noobj_pred = pflat[:, cols]
    noobj_tgt = tflat[:, cols]
    loss_noobj = jnp.sum(jnp.where(
        noobj_mask[:, None],
        (noobj_pred - noobj_tgt) ** 2,
        0.0))
    loss_class = jnp.sum(jnp.where(
        obj_mask[:, None],
        (pflat[:, 5 * B:] - tflat[:, 5 * B:]) ** 2,
        0.0))
    total = I_COORD * (loss_xy + loss_wh) + loss_obj + I_NOOBJ * loss_noobj + loss_class
    return total / float(batch)


def setup_inputs(seed: int = 0) -> dict:
    key = jax.random.key(seed)
    k1, k2 = jax.random.split(key)
    pred = jax.random.uniform(k1, (BATCH, S, S, N), dtype=jnp.float32)
    target = jax.random.uniform(k2, (BATCH, S, S, N), dtype=jnp.float32)
    return {"pred_tensor": pred, "target_tensor": target}


def reference(pred_tensor, target_tensor):
    return _loss(pred_tensor, target_tensor)

if __name__ == "__main__":
    import jax
    _d = setup_inputs()
    print(jax.jit(kernel)(*tuple(_d.values())))

</pallas_src>

<mosaic_0001>
#map = affine_map<(d0, d1) -> (0)>
#map1 = affine_map<(d0, d1) -> (0, 0)>
module attributes {stable_mosaic.version = 14 : i64} {
  func.func @_sc_body(%arg0: i32, %arg1: i32, %arg2: memref<200704xf32, #tpu.memory_space<hbm>>, %arg3: memref<200704xf32, #tpu.memory_space<hbm>>, %arg4: memref<16x16xf32, #tpu.memory_space<hbm>>, %arg5: memref<16384xf32, #tpu.memory_space<vmem>>, %arg6: memref<16384xf32, #tpu.memory_space<vmem>>, %arg7: memref<16xf32, #tpu.memory_space<vmem>>, %arg8: memref<!tpu.dma_semaphore, #tpu.memory_space<semaphore_mem>>, %arg9: memref<!tpu.dma_semaphore, #tpu.memory_space<semaphore_mem>>) attributes {dimension_semantics = [#tpu.dimension_semantics<core_parallel>, #tpu.dimension_semantics<subcore_parallel>], iteration_bounds = array<i64: 1, 16>, scalar_prefetch = 0 : i64, scratch_operands = 5 : i64, tpu.core_type = #tpu.core_type<sc_vector_subcore>, window_params = [{transform_indices = #map}, {transform_indices = #map}, {transform_indices = #map1}]} {
    %mul3A = arith.constant 392 : i32
    %mul3A_0 = arith.muli %mul3A, %arg1 : i32
    %jit3A = arith.constant 16 : i32
    %div3A = arith.divsi %mul3A_0, %jit3A : i32
    %sign3A = arith.constant 0 : i32
    %sign3A_1 = arith.cmpi sgt, %mul3A_0, %sign3A : i32
    %sign3A_2 = arith.extui %sign3A_1 : i1 to i32
    %sign3A_3 = arith.constant 0 : i32
    %sign3A_4 = arith.cmpi slt, %mul3A_0, %sign3A_3 : i32
    %sign3A_5 = arith.extui %sign3A_4 : i1 to i32
    %sign3A_6 = arith.subi %sign3A_2, %sign3A_5 : i32
    %sign3A_7 = arith.constant 0 : i32
    %sign3A_8 = arith.cmpi sgt, %jit3A, %sign3A_7 : i32
    %sign3A_9 = arith.extui %sign3A_8 : i1 to i32
    %sign3A_10 = arith.constant 0 : i32
    %sign3A_11 = arith.cmpi slt, %jit3A, %sign3A_10 : i32
    %sign3A_12 = arith.extui %sign3A_11 : i1 to i32
    %sign3A_13 = arith.subi %sign3A_9, %sign3A_12 : i32
    %ne3A = arith.cmpi ne, %sign3A_6, %sign3A_13 : i32
    %rem3A = arith.remsi %mul3A_0, %jit3A : i32
    %ne3A_14 = arith.constant 0 : i32
    %ne3A_15 = arith.cmpi ne, %rem3A, %ne3A_14 : i32
    %and3A = arith.andi %ne3A, %ne3A_15 : i1
    %sub3A = arith.constant 1 : i32
    %sub3A_16 = arith.subi %div3A, %sub3A : i32
    %select_n3A = arith.select %and3A, %sub3A_16, %div3A : i32
    %add3A = arith.constant 1 : i32
    %add3A_17 = arith.addi %arg1, %add3A : i32
    %mul3A_18 = arith.constant 392 : i32
    %mul3A_19 = arith.muli %mul3A_18, %add3A_17 : i32
    %jit3A_20 = arith.constant 16 : i32
    %div3A_21 = arith.divsi %mul3A_19, %jit3A_20 : i32
    %sign3A_22 = arith.constant 0 : i32
    %sign3A_23 = arith.cmpi sgt, %mul3A_19, %sign3A_22 : i32
    %sign3A_24 = arith.extui %sign3A_23 : i1 to i32
    %sign3A_25 = arith.constant 0 : i32
    %sign3A_26 = arith.cmpi slt, %mul3A_19, %sign3A_25 : i32
    %sign3A_27 = arith.extui %sign3A_26 : i1 to i32
    %sign3A_28 = arith.subi %sign3A_24, %sign3A_27 : i32
    %sign3A_29 = arith.constant 0 : i32
    %sign3A_30 = arith.cmpi sgt, %jit3A_20, %sign3A_29 : i32
    %sign3A_31 = arith.extui %sign3A_30 : i1 to i32
    %sign3A_32 = arith.constant 0 : i32
    %sign3A_33 = arith.cmpi slt, %jit3A_20, %sign3A_32 : i32
    %sign3A_34 = arith.extui %sign3A_33 : i1 to i32
    %sign3A_35 = arith.subi %sign3A_31, %sign3A_34 : i32
    %ne3A_36 = arith.cmpi ne, %sign3A_28, %sign3A_35 : i32
    %rem3A_37 = arith.remsi %mul3A_19, %jit3A_20 : i32
    %ne3A_38 = arith.constant 0 : i32
    %ne3A_39 = arith.cmpi ne, %rem3A_37, %ne3A_38 : i32
    %and3A_40 = arith.andi %ne3A_36, %ne3A_39 : i1
    %sub3A_41 = arith.constant 1 : i32
    %sub3A_42 = arith.subi %div3A_21, %sub3A_41 : i32
    %select_n3A_43 = arith.select %and3A_40, %sub3A_42, %div3A_21 : i32
    %jit3A_44 = arith.constant 8 : i32
    %div3A_45 = arith.divsi %select_n3A, %jit3A_44 : i32
    %sign3A_46 = arith.constant 0 : i32
    %sign3A_47 = arith.cmpi sgt, %select_n3A, %sign3A_46 : i32
    %sign3A_48 = arith.extui %sign3A_47 : i1 to i32
    %sign3A_49 = arith.constant 0 : i32
    %sign3A_50 = arith.cmpi slt, %select_n3A, %sign3A_49 : i32
    %sign3A_51 = arith.extui %sign3A_50 : i1 to i32
    %sign3A_52 = arith.subi %sign3A_48, %sign3A_51 : i32
    %sign3A_53 = arith.constant 0 : i32
    %sign3A_54 = arith.cmpi sgt, %jit3A_44, %sign3A_53 : i32
    %sign3A_55 = arith.extui %sign3A_54 : i1 to i32
    %sign3A_56 = arith.constant 0 : i32
    %sign3A_57 = arith.cmpi slt, %jit3A_44, %sign3A_56 : i32
    %sign3A_58 = arith.extui %sign3A_57 : i1 to i32
    %sign3A_59 = arith.subi %sign3A_55, %sign3A_58 : i32
    %ne3A_60 = arith.cmpi ne, %sign3A_52, %sign3A_59 : i32
    %rem3A_61 = arith.remsi %select_n3A, %jit3A_44 : i32
    %ne3A_62 = arith.constant 0 : i32
    %ne3A_63 = arith.cmpi ne, %rem3A_61, %ne3A_62 : i32
    %and3A_64 = arith.andi %ne3A_60, %ne3A_63 : i1
    %sub3A_65 = arith.constant 1 : i32
    %sub3A_66 = arith.subi %div3A_45, %sub3A_65 : i32
    %select_n3A_67 = arith.select %and3A_64, %sub3A_66, %div3A_45 : i32
    %mul3A_68 = arith.constant 4096 : i32
    %mul3A_69 = arith.muli %select_n3A_67, %mul3A_68 : i32
    %dma_start3A = tpu.memref_slice %arg2[%mul3A_69] : memref<200704xf32, #tpu.memory_space<hbm>> -> memref<16384xf32, #tpu.memory_space<hbm>>
    %dma_start3A_70 = tpu.memref_slice %arg2[%mul3A_69] : memref<200704xf32, #tpu.memory_space<hbm>> -> memref<16384xf32, #tpu.memory_space<hbm>>
    tpu.enqueue_dma source(%dma_start3A_70 : memref<16384xf32, #tpu.memory_space<hbm>>) target(%arg5 : memref<16384xf32, #tpu.memory_space<vmem>>) target_semaphore(%arg8 : memref<!tpu.dma_semaphore, #tpu.memory_space<semaphore_mem>>)
    %mul3A_71 = arith.constant 4096 : i32
    %mul3A_72 = arith.muli %select_n3A_67, %mul3A_71 : i32
    %dma_start3A_73 = tpu.memref_slice %arg3[%mul3A_72] : memref<200704xf32, #tpu.memory_space<hbm>> -> memref<16384xf32, #tpu.memory_space<hbm>>
    %dma_start3A_74 = tpu.memref_slice %arg3[%mul3A_72] : memref<200704xf32, #tpu.memory_space<hbm>> -> memref<16384xf32, #tpu.memory_space<hbm>>
    tpu.enqueue_dma source(%dma_start3A_74 : memref<16384xf32, #tpu.memory_space<hbm>>) target(%arg6 : memref<16384xf32, #tpu.memory_space<vmem>>) target_semaphore(%arg9 : memref<!tpu.dma_semaphore, #tpu.memory_space<semaphore_mem>>)
    %dma_wait3A = tpu.memref_slice %arg2[%mul3A_69] : memref<200704xf32, #tpu.memory_space<hbm>> -> memref<16384xf32, #tpu.memory_space<hbm>>
    %dma_wait3A_75 = tpu.memref_slice %arg2[%mul3A_69] : memref<200704xf32, #tpu.memory_space<hbm>> -> memref<16384xf32, #tpu.memory_space<hbm>>
    tpu.wait_dma2 semaphore(%arg8 : memref<!tpu.dma_semaphore, #tpu.memory_space<semaphore_mem>>) src(%dma_wait3A_75 : memref<16384xf32, #tpu.memory_space<hbm>>) dst(%arg5 : memref<16384xf32, #tpu.memory_space<vmem>>)
    %dma_wait3A_76 = tpu.memref_slice %arg3[%mul3A_72] : memref<200704xf32, #tpu.memory_space<hbm>> -> memref<16384xf32, #tpu.memory_space<hbm>>
    %dma_wait3A_77 = tpu.memref_slice %arg3[%mul3A_72] : memref<200704xf32, #tpu.memory_space<hbm>> -> memref<16384xf32, #tpu.memory_space<hbm>>
    tpu.wait_dma2 semaphore(%arg9 : memref<!tpu.dma_semaphore, #tpu.memory_space<semaphore_mem>>) src(%dma_wait3A_77 : memref<16384xf32, #tpu.memory_space<hbm>>) dst(%arg6 : memref<16384xf32, #tpu.memory_space<vmem>>)
    %broadcast_in_dim3A = arith.constant 0.000000e+00 : f32
    %broadcast_in_dim3A_78 = vector.broadcast %broadcast_in_dim3A : f32 to vector<16xf32>
    %while3A = arith.subi %select_n3A_43, %select_n3A : i32
    %while3A_79 = arith.addi %select_n3A, %while3A : i32
    %while3A_80 = arith.constant 1 : i32
    %while3A_81 = arith.divsi %while3A, %while3A_80 : i32
    %while3A_82 = arith.muli %while3A_81, %while3A_80 : i32
    %while3A_83 = arith.addi %select_n3A, %while3A_82 : i32
    %while3A_84 = arith.constant 1 : i32
    %while3A_85 = scf.for %while3A_89 = %select_n3A to %while3A_83 step %while3A_84 iter_args(%while3A_90 = %broadcast_in_dim3A_78) -> (vector<16xf32>)  : i32 {
      %jit3A_91 = arith.constant 8 : i32
      %div3A_92 = arith.divsi %while3A_89, %jit3A_91 : i32
      %sign3A_93 = arith.constant 0 : i32
      %sign3A_94 = arith.cmpi sgt, %while3A_89, %sign3A_93 : i32
      %sign3A_95 = arith.extui %sign3A_94 : i1 to i32
      %sign3A_96 = arith.constant 0 : i32
      %sign3A_97 = arith.cmpi slt, %while3A_89, %sign3A_96 : i32
      %sign3A_98 = arith.extui %sign3A_97 : i1 to i32
      %sign3A_99 = arith.subi %sign3A_95, %sign3A_98 : i32
      %sign3A_100 = arith.constant 0 : i32
      %sign3A_101 = arith.cmpi sgt, %jit3A_91, %sign3A_100 : i32
      %sign3A_102 = arith.extui %sign3A_101 : i1 to i32
      %sign3A_103 = arith.constant 0 : i32
      %sign3A_104 = arith.cmpi slt, %jit3A_91, %sign3A_103 : i32
      %sign3A_105 = arith.extui %sign3A_104 : i1 to i32
      %sign3A_106 = arith.subi %sign3A_102, %sign3A_105 : i32
      %ne3A_107 = arith.cmpi ne, %sign3A_99, %sign3A_106 : i32
      %rem3A_108 = arith.remsi %while3A_89, %jit3A_91 : i32
      %ne3A_109 = arith.constant 0 : i32
      %ne3A_110 = arith.cmpi ne, %rem3A_108, %ne3A_109 : i32
      %and3A_111 = arith.andi %ne3A_107, %ne3A_110 : i1
      %sub3A_112 = arith.constant 1 : i32
      %sub3A_113 = arith.subi %div3A_92, %sub3A_112 : i32
      %select_n3A_114 = arith.select %and3A_111, %sub3A_113, %div3A_92 : i32
      %mul3A_115 = arith.constant 8 : i32
      %mul3A_116 = arith.muli %select_n3A_114, %mul3A_115 : i32
      %sub3A_117 = arith.subi %while3A_89, %mul3A_116 : i32
      %sub3A_118 = arith.subi %select_n3A_114, %select_n3A_67 : i32
      %mul3A_119 = arith.constant 4096 : i32
      %mul3A_120 = arith.muli %sub3A_118, %mul3A_119 : i32
      %mul3A_121 = arith.constant 16 : i32
      %mul3A_122 = arith.muli %sub3A_117, %mul3A_121 : i32
      %add3A_123 = arith.addi %mul3A_120, %mul3A_122 : i32
      %add3A_124 = arith.constant 0 : i32
      %add3A_125 = arith.addi %add3A_123, %add3A_124 : i32
      %get3A = arith.index_cast %add3A_125 : i32 to index
      %get3A_126 = tpu.vector_load %arg6[%get3A] {strides = array<i32>} : memref<16384xf32, #tpu.memory_space<vmem>>, vector<16xf32>,
      %add3A_127 = arith.constant 128 : i32
      %add3A_128 = arith.addi %add3A_123, %add3A_127 : i32
      %get3A_129 = arith.index_cast %add3A_128 : i32 to index
      %get3A_130 = tpu.vector_load %arg6[%get3A_129] {strides = array<i32>} : memref<16384xf32, #tpu.memory_space<vmem>>, vector<16xf32>,
      %add3A_131 = arith.constant 256 : i32
      %add3A_132 = arith.addi %add3A_123, %add3A_131 : i32
      %get3A_133 = arith.index_cast %add3A_132 : i32 to index
      %get3A_134 = tpu.vector_load %arg6[%get3A_133] {strides = array<i32>} : memref<16384xf32, #tpu.memory_space<vmem>>, vector<16xf32>,
      %add3A_135 = arith.constant 384 : i32
      %add3A_136 = arith.addi %add3A_123, %add3A_135 : i32
      %get3A_137 = arith.index_cast %add3A_136 : i32 to index
      %get3A_138 = tpu.vector_load %arg6[%get3A_137] {strides = array<i32>} : memref<16384xf32, #tpu.memory_space<vmem>>, vector<16xf32>,
      %add3A_139 = arith.constant 512 : i32
      %add3A_140 = arith.addi %add3A_123, %add3A_139 : i32
      %get3A_141 = arith.index_cast %add3A_140 : i32 to index
      %get3A_142 = tpu.vector_load %arg6[%get3A_141] {strides = array<i32>} : memref<16384xf32, #tpu.memory_space<vmem>>, vector<16xf32>,
      %mul3A_143 = arith.constant 0.142857149 : f32
      %mul3A_144 = vector.broadcast %mul3A_143 : f32 to vector<16xf32>
      %mul3A_145 = arith.mulf %get3A_126, %mul3A_144 : vector<16xf32>
      %mul3A_146 = arith.constant 0.142857149 : f32
      %mul3A_147 = vector.broadcast %mul3A_146 : f32 to vector<16xf32>
      %mul3A_148 = arith.mulf %get3A_130, %mul3A_147 : vector<16xf32>
      %mul3A_149 = arith.constant 5.000000e-01 : f32
      %mul3A_150 = vector.broadcast %mul3A_149 : f32 to vector<16xf32>
      %mul3A_151 = arith.mulf %mul3A_150, %get3A_134 : vector<16xf32>
      %sub3A_152 = arith.subf %mul3A_145, %mul3A_151 : vector<16xf32>
      %mul3A_153 = arith.constant 5.000000e-01 : f32
      %mul3A_154 = vector.broadcast %mul3A_153 : f32 to vector<16xf32>
      %mul3A_155 = arith.mulf %mul3A_154, %get3A_138 : vector<16xf32>
      %sub3A_156 = arith.subf %mul3A_148, %mul3A_155 : vector<16xf32>
      %mul3A_157 = arith.constant 5.000000e-01 : f32
      %mul3A_158 = vector.broadcast %mul3A_157 : f32 to vector<16xf32>
      %mul3A_159 = arith.mulf %mul3A_158, %get3A_134 : vector<16xf32>
      %add3A_160 = arith.addf %mul3A_145, %mul3A_159 : vector<16xf32>
      %mul3A_161 = arith.constant 5.000000e-01 : f32
      %mul3A_162 = vector.broadcast %mul3A_161 : f32 to vector<16xf32>
      %mul3A_163 = arith.mulf %mul3A_162, %get3A_138 : vector<16xf32>
      %add3A_164 = arith.addf %mul3A_148, %mul3A_163 : vector<16xf32>
      %sub3A_165 = arith.subf %add3A_160, %sub3A_152 : vector<16xf32>
      %sub3A_166 = arith.subf %add3A_164, %sub3A_156 : vector<16xf32>
      %mul3A_167 = arith.mulf %sub3A_165, %sub3A_166 : vector<16xf32>
      %add3A_168 = arith.constant 0 : i32
      %add3A_169 = arith.addi %add3A_123, %add3A_168 : i32
      %get3A_170 = arith.index_cast %add3A_169 : i32 to index
      %get3A_171 = tpu.vector_load %arg5[%get3A_170] {strides = array<i32>} : memref<16384xf32, #tpu.memory_space<vmem>>, vector<16xf32>,
      %add3A_172 = arith.constant 128 : i32
      %add3A_173 = arith.addi %add3A_123, %add3A_172 : i32
      %get3A_174 = arith.index_cast %add3A_173 : i32 to index
      %get3A_175 = tpu.vector_load %arg5[%get3A_174] {strides = array<i32>} : memref<16384xf32, #tpu.memory_space<vmem>>, vector<16xf32>,
      %add3A_176 = arith.constant 256 : i32
      %add3A_177 = arith.addi %add3A_123, %add3A_176 : i32
      %get3A_178 = arith.index_cast %add3A_177 : i32 to index
      %get3A_179 = tpu.vector_load %arg5[%get3A_178] {strides = array<i32>} : memref<16384xf32, #tpu.memory_space<vmem>>, vector<16xf32>,
      %add3A_180 = arith.constant 384 : i32
      %add3A_181 = arith.addi %add3A_123, %add3A_180 : i32
      %get3A_182 = arith.index_cast %add3A_181 : i32 to index
      %get3A_183 = tpu.vector_load %arg5[%get3A_182] {strides = array<i32>} : memref<16384xf32, #tpu.memory_space<vmem>>, vector<16xf32>,
      %add3A_184 = arith.constant 512 : i32
      %add3A_185 = arith.addi %add3A_123, %add3A_184 : i32
      %get3A_186 = arith.index_cast %add3A_185 : i32 to index
      %get3A_187 = tpu.vector_load %arg5[%get3A_186] {strides = array<i32>} : memref<16384xf32, #tpu.memory_space<vmem>>, vector<16xf32>,
      %add3A_188 = arith.constant 640 : i32
      %add3A_189 = arith.addi %add3A_123, %add3A_188 : i32
      %get3A_190 = arith.index_cast %add3A_189 : i32 to index
      %get3A_191 = tpu.vector_load %arg5[%get3A_190] {strides = array<i32>} : memref<16384xf32, #tpu.memory_space<vmem>>, vector<16xf32>,
      %add3A_192 = arith.constant 768 : i32
      %add3A_193 = arith.addi %add3A_123, %add3A_192 : i32
      %get3A_194 = arith.index_cast %add3A_193 : i32 to index
      %get3A_195 = tpu.vector_load %arg5[%get3A_194] {strides = array<i32>} : memref<16384xf32, #tpu.memory_space<vmem>>, vector<16xf32>,
      %add3A_196 = arith.constant 896 : i32
      %add3A_197 = arith.addi %add3A_123, %add3A_196 : i32
      %get3A_198 = arith.index_cast %add3A_197 : i32 to index
      %get3A_199 = tpu.vector_load %arg5[%get3A_198] {strides = array<i32>} : memref<16384xf32, #tpu.memory_space<vmem>>, vector<16xf32>,
      %add3A_200 = arith.constant 1024 : i32
      %add3A_201 = arith.addi %add3A_123, %add3A_200 : i32
      %get3A_202 = arith.index_cast %add3A_201 : i32 to index
      %get3A_203 = tpu.vector_load %arg5[%get3A_202] {strides = array<i32>} : memref<16384xf32, #tpu.memory_space<vmem>>, vector<16xf32>,
      %add3A_204 = arith.constant 1152 : i32
      %add3A_205 = arith.addi %add3A_123, %add3A_204 : i32
      %get3A_206 = arith.index_cast %add3A_205 : i32 to index
      %get3A_207 = tpu.vector_load %arg5[%get3A_206] {strides = array<i32>} : memref<16384xf32, #tpu.memory_space<vmem>>, vector<16xf32>,
      %mul3A_208 = arith.constant 0.142857149 : f32
      %mul3A_209 = vector.broadcast %mul3A_208 : f32 to vector<16xf32>
      %mul3A_210 = arith.mulf %get3A_171, %mul3A_209 : vector<16xf32>
      %mul3A_211 = arith.constant 0.142857149 : f32
      %mul3A_212 = vector.broadcast %mul3A_211 : f32 to vector<16xf32>
      %mul3A_213 = arith.mulf %get3A_175, %mul3A_212 : vector<16xf32>
      %mul3A_214 = arith.constant 5.000000e-01 : f32
      %mul3A_215 = vector.broadcast %mul3A_214 : f32 to vector<16xf32>
      %mul3A_216 = arith.mulf %mul3A_215, %get3A_179 : vector<16xf32>
      %sub3A_217 = arith.subf %mul3A_210, %mul3A_216 : vector<16xf32>
      %mul3A_218 = arith.constant 5.000000e-01 : f32
      %mul3A_219 = vector.broadcast %mul3A_218 : f32 to vector<16xf32>
      %mul3A_220 = arith.mulf %mul3A_219, %get3A_183 : vector<16xf32>
      %sub3A_221 = arith.subf %mul3A_213, %mul3A_220 : vector<16xf32>
      %mul3A_222 = arith.constant 5.000000e-01 : f32
      %mul3A_223 = vector.broadcast %mul3A_222 : f32 to vector<16xf32>
      %mul3A_224 = arith.mulf %mul3A_223, %get3A_179 : vector<16xf32>
      %add3A_225 = arith.addf %mul3A_210, %mul3A_224 : vector<16xf32>
      %mul3A_226 = arith.constant 5.000000e-01 : f32
      %mul3A_227 = vector.broadcast %mul3A_226 : f32 to vector<16xf32>
      %mul3A_228 = arith.mulf %mul3A_227, %get3A_183 : vector<16xf32>
      %add3A_229 = arith.addf %mul3A_213, %mul3A_228 : vector<16xf32>
      %min3A = arith.minimumf %add3A_225, %add3A_160 : vector<16xf32>
      %max3A = arith.maximumf %sub3A_217, %sub3A_152 : vector<16xf32>
      %sub3A_230 = arith.subf %min3A, %max3A : vector<16xf32>
      %max3A_231 = arith.constant 0.000000e+00 : f32
      %max3A_232 = vector.broadcast %max3A_231 : f32 to vector<16xf32>
      %max3A_233 = arith.maximumf %sub3A_230, %max3A_232 : vector<16xf32>
      %min3A_234 = arith.minimumf %add3A_229, %add3A_164 : vector<16xf32>
      %max3A_235 = arith.maximumf %sub3A_221, %sub3A_156 : vector<16xf32>
      %sub3A_236 = arith.subf %min3A_234, %max3A_235 : vector<16xf32>
      %max3A_237 = arith.constant 0.000000e+00 : f32
      %max3A_238 = vector.broadcast %max3A_237 : f32 to vector<16xf32>
      %max3A_239 = arith.maximumf %sub3A_236, %max3A_238 : vector<16xf32>
      %mul3A_240 = arith.mulf %max3A_233, %max3A_239 : vector<16xf32>
      %sub3A_241 = arith.subf %add3A_225, %sub3A_217 : vector<16xf32>
      %sub3A_242 = arith.subf %add3A_229, %sub3A_221 : vector<16xf32>
      %mul3A_243 = arith.mulf %sub3A_241, %sub3A_242 : vector<16xf32>
      %add3A_244 = arith.addf %mul3A_243, %mul3A_167 : vector<16xf32>
      %sub3A_245 = arith.subf %add3A_244, %mul3A_240 : vector<16xf32>
      %mul3A_246 = arith.constant 0.142857149 : f32
      %mul3A_247 = vector.broadcast %mul3A_246 : f32 to vector<16xf32>
      %mul3A_248 = arith.mulf %get3A_191, %mul3A_247 : vector<16xf32>
      %mul3A_249 = arith.constant 0.142857149 : f32
      %mul3A_250 = vector.broadcast %mul3A_249 : f32 to vector<16xf32>
      %mul3A_251 = arith.mulf %get3A_195, %mul3A_250 : vector<16xf32>
      %mul3A_252 = arith.constant 5.000000e-01 : f32
      %mul3A_253 = vector.broadcast %mul3A_252 : f32 to vector<16xf32>
      %mul3A_254 = arith.mulf %mul3A_253, %get3A_199 : vector<16xf32>
      %sub3A_255 = arith.subf %mul3A_248, %mul3A_254 : vector<16xf32>
      %mul3A_256 = arith.constant 5.000000e-01 : f32
      %mul3A_257 = vector.broadcast %mul3A_256 : f32 to vector<16xf32>
      %mul3A_258 = arith.mulf %mul3A_257, %get3A_203 : vector<16xf32>
      %sub3A_259 = arith.subf %mul3A_251, %mul3A_258 : vector<16xf32>
      %mul3A_260 = arith.constant 5.000000e-01 : f32
      %mul3A_261 = vector.broadcast %mul3A_260 : f32 to vector<16xf32>
      %mul3A_262 = arith.mulf %mul3A_261, %get3A_199 : vector<16xf32>
      %add3A_263 = arith.addf %mul3A_248, %mul3A_262 : vector<16xf32>
      %mul3A_264 = arith.constant 5.000000e-01 : f32
      %mul3A_265 = vector.broadcast %mul3A_264 : f32 to vector<16xf32>
      %mul3A_266 = arith.mulf %mul3A_265, %get3A_203 : vector<16xf32>
      %add3A_267 = arith.addf %mul3A_251, %mul3A_266 : vector<16xf32>
      %min3A_268 = arith.minimumf %add3A_263, %add3A_160 : vector<16xf32>
      %max3A_269 = arith.maximumf %sub3A_255, %sub3A_152 : vector<16xf32>
      %sub3A_270 = arith.subf %min3A_268, %max3A_269 : vector<16xf32>
      %max3A_271 = arith.constant 0.000000e+00 : f32
      %max3A_272 = vector.broadcast %max3A_271 : f32 to vector<16xf32>
      %max3A_273 = arith.maximumf %sub3A_270, %max3A_272 : vector<16xf32>
      %min3A_274 = arith.minimumf %add3A_267, %add3A_164 : vector<16xf32>
      %max3A_275 = arith.maximumf %sub3A_259, %sub3A_156 : vector<16xf32>
      %sub3A_276 = arith.subf %min3A_274, %max3A_275 : vector<16xf32>
      %max3A_277 = arith.constant 0.000000e+00 : f32
      %max3A_278 = vector.broadcast %max3A_277 : f32 to vector<16xf32>
      %max3A_279 = arith.maximumf %sub3A_276, %max3A_278 : vector<16xf32>
      %mul3A_280 = arith.mulf %max3A_273, %max3A_279 : vector<16xf32>
      %sub3A_281 = arith.subf %add3A_263, %sub3A_255 : vector<16xf32>
      %sub3A_282 = arith.subf %add3A_267, %sub3A_259 : vector<16xf32>
      %mul3A_283 = arith.mulf %sub3A_281, %sub3A_282 : vector<16xf32>
      %add3A_284 = arith.addf %mul3A_283, %mul3A_167 : vector<16xf32>
      %sub3A_285 = arith.subf %add3A_284, %mul3A_280 : vector<16xf32>
      %mul3A_286 = arith.mulf %mul3A_280, %sub3A_245 : vector<16xf32>
      %mul3A_287 = arith.mulf %mul3A_240, %sub3A_285 : vector<16xf32>
      %gt3A = arith.cmpf ogt, %mul3A_286, %mul3A_287 : vector<16xf32>
      %select_n3A_288 = arith.select %gt3A, %mul3A_280, %mul3A_240 : vector<16xi1>, vector<16xf32>
      %select_n3A_289 = arith.select %gt3A, %sub3A_285, %sub3A_245 : vector<16xi1>, vector<16xf32>
      %div3A_290 = arith.divf %select_n3A_288, %select_n3A_289 : vector<16xf32>
      %select_n3A_291 = arith.select %gt3A, %get3A_191, %get3A_171 : vector<16xi1>, vector<16xf32>
      %select_n3A_292 = arith.select %gt3A, %get3A_195, %get3A_175 : vector<16xi1>, vector<16xf32>
      %select_n3A_293 = arith.select %gt3A, %get3A_199, %get3A_179 : vector<16xi1>, vector<16xf32>
      %select_n3A_294 = arith.select %gt3A, %get3A_203, %get3A_183 : vector<16xi1>, vector<16xf32>
      %select_n3A_295 = arith.select %gt3A, %get3A_207, %get3A_187 : vector<16xi1>, vector<16xf32>
      %add3A_296 = arith.constant 640 : i32
      %add3A_297 = arith.addi %add3A_123, %add3A_296 : i32
      %get3A_298 = arith.index_cast %add3A_297 : i32 to index
      %get3A_299 = tpu.vector_load %arg6[%get3A_298] {strides = array<i32>} : memref<16384xf32, #tpu.memory_space<vmem>>, vector<16xf32>,
      %add3A_300 = arith.constant 768 : i32
      %add3A_301 = arith.addi %add3A_123, %add3A_300 : i32
      %get3A_302 = arith.index_cast %add3A_301 : i32 to index
      %get3A_303 = tpu.vector_load %arg6[%get3A_302] {strides = array<i32>} : memref<16384xf32, #tpu.memory_space<vmem>>, vector<16xf32>,
      %add3A_304 = arith.constant 896 : i32
      %add3A_305 = arith.addi %add3A_123, %add3A_304 : i32
      %get3A_306 = arith.index_cast %add3A_305 : i32 to index
      %get3A_307 = tpu.vector_load %arg6[%get3A_306] {strides = array<i32>} : memref<16384xf32, #tpu.memory_space<vmem>>, vector<16xf32>,
      %add3A_308 = arith.constant 1024 : i32
      %add3A_309 = arith.addi %add3A_123, %add3A_308 : i32
      %get3A_310 = arith.index_cast %add3A_309 : i32 to index
      %get3A_311 = tpu.vector_load %arg6[%get3A_310] {strides = array<i32>} : memref<16384xf32, #tpu.memory_space<vmem>>, vector<16xf32>,
      %select_n3A_312 = arith.select %gt3A, %get3A_299, %get3A_126 : vector<16xi1>, vector<16xf32>
      %select_n3A_313 = arith.select %gt3A, %get3A_303, %get3A_130 : vector<16xi1>, vector<16xf32>
      %select_n3A_314 = arith.select %gt3A, %get3A_307, %get3A_134 : vector<16xi1>, vector<16xf32>
      %select_n3A_315 = arith.select %gt3A, %get3A_311, %get3A_138 : vector<16xi1>, vector<16xf32>
      %sub3A_316 = arith.subf %select_n3A_291, %select_n3A_312 : vector<16xf32>
      %sub3A_317 = arith.subf %select_n3A_292, %select_n3A_313 : vector<16xf32>
      %mul3A_318 = arith.mulf %sub3A_316, %sub3A_316 : vector<16xf32>
      %mul3A_319 = arith.mulf %sub3A_317, %sub3A_317 : vector<16xf32>
      %add3A_320 = arith.addf %mul3A_318, %mul3A_319 : vector<16xf32>
      %add3A_321 = arith.addf %select_n3A_293, %select_n3A_314 : vector<16xf32>
      %mul3A_322 = arith.mulf %select_n3A_293, %select_n3A_314 : vector<16xf32>
      %bitcast3A = vector.bitcast %mul3A_322 : vector<16xf32> to vector<16xi32>
      %shift_right_arithmetic3A = arith.constant 1 : i32
      %shift_right_arithmetic3A_323 = vector.broadcast %shift_right_arithmetic3A : i32 to vector<16xi32>
      %shift_right_arithmetic3A_324 = arith.shrsi %bitcast3A, %shift_right_arithmetic3A_323 : vector<16xi32>
      %sub3A_325 = arith.constant 1597463007 : i32
      %sub3A_326 = vector.broadcast %sub3A_325 : i32 to vector<16xi32>
      %sub3A_327 = arith.subi %sub3A_326, %shift_right_arithmetic3A_324 : vector<16xi32>
      %bitcast3A_328 = vector.bitcast %sub3A_327 : vector<16xi32> to vector<16xf32>
      %mul3A_329 = arith.constant 5.000000e-01 : f32
      %mul3A_330 = vector.broadcast %mul3A_329 : f32 to vector<16xf32>
      %mul3A_331 = arith.mulf %mul3A_330, %mul3A_322 : vector<16xf32>
      %mul3A_332 = arith.mulf %mul3A_331, %bitcast3A_328 : vector<16xf32>
      %mul3A_333 = arith.mulf %mul3A_332, %bitcast3A_328 : vector<16xf32>
      %sub3A_334 = arith.constant 1.500000e+00 : f32
      %sub3A_335 = vector.broadcast %sub3A_334 : f32 to vector<16xf32>
      %sub3A_336 = arith.subf %sub3A_335, %mul3A_333 : vector<16xf32>
      %mul3A_337 = arith.mulf %bitcast3A_328, %sub3A_336 : vector<16xf32>
      %mul3A_338 = arith.mulf %mul3A_331, %mul3A_337 : vector<16xf32>
      %mul3A_339 = arith.mulf %mul3A_338, %mul3A_337 : vector<16xf32>
      %sub3A_340 = arith.constant 1.500000e+00 : f32
      %sub3A_341 = vector.broadcast %sub3A_340 : f32 to vector<16xf32>
      %sub3A_342 = arith.subf %sub3A_341, %mul3A_339 : vector<16xf32>
      %mul3A_343 = arith.mulf %mul3A_337, %sub3A_342 : vector<16xf32>
      %mul3A_344 = arith.mulf %mul3A_322, %mul3A_343 : vector<16xf32>
      %mul3A_345 = arith.constant 2.000000e+00 : f32
      %mul3A_346 = vector.broadcast %mul3A_345 : f32 to vector<16xf32>
      %mul3A_347 = arith.mulf %mul3A_346, %mul3A_344 : vector<16xf32>
      %sub3A_348 = arith.subf %add3A_321, %mul3A_347 : vector<16xf32>
      %add3A_349 = arith.addf %sub3A_348, %select_n3A_294 : vector<16xf32>
      %add3A_350 = arith.addf %add3A_349, %select_n3A_315 : vector<16xf32>
      %mul3A_351 = arith.mulf %select_n3A_294, %select_n3A_315 : vector<16xf32>
      %bitcast3A_352 = vector.bitcast %mul3A_351 : vector<16xf32> to vector<16xi32>
      %shift_right_arithmetic3A_353 = arith.constant 1 : i32
      %shift_right_arithmetic3A_354 = vector.broadcast %shift_right_arithmetic3A_353 : i32 to vector<16xi32>
      %shift_right_arithmetic3A_355 = arith.shrsi %bitcast3A_352, %shift_right_arithmetic3A_354 : vector<16xi32>
      %sub3A_356 = arith.constant 1597463007 : i32
      %sub3A_357 = vector.broadcast %sub3A_356 : i32 to vector<16xi32>
      %sub3A_358 = arith.subi %sub3A_357, %shift_right_arithmetic3A_355 : vector<16xi32>
      %bitcast3A_359 = vector.bitcast %sub3A_358 : vector<16xi32> to vector<16xf32>
      %mul3A_360 = arith.constant 5.000000e-01 : f32
      %mul3A_361 = vector.broadcast %mul3A_360 : f32 to vector<16xf32>
      %mul3A_362 = arith.mulf %mul3A_361, %mul3A_351 : vector<16xf32>
      %mul3A_363 = arith.mulf %mul3A_362, %bitcast3A_359 : vector<16xf32>
      %mul3A_364 = arith.mulf %mul3A_363, %bitcast3A_359 : vector<16xf32>
      %sub3A_365 = arith.constant 1.500000e+00 : f32
      %sub3A_366 = vector.broadcast %sub3A_365 : f32 to vector<16xf32>
      %sub3A_367 = arith.subf %sub3A_366, %mul3A_364 : vector<16xf32>
      %mul3A_368 = arith.mulf %bitcast3A_359, %sub3A_367 : vector<16xf32>
      %mul3A_369 = arith.mulf %mul3A_362, %mul3A_368 : vector<16xf32>
      %mul3A_370 = arith.mulf %mul3A_369, %mul3A_368 : vector<16xf32>
      %sub3A_371 = arith.constant 1.500000e+00 : f32
      %sub3A_372 = vector.broadcast %sub3A_371 : f32 to vector<16xf32>
      %sub3A_373 = arith.subf %sub3A_372, %mul3A_370 : vector<16xf32>
      %mul3A_374 = arith.mulf %mul3A_368, %sub3A_373 : vector<16xf32>
      %mul3A_375 = arith.mulf %mul3A_351, %mul3A_374 : vector<16xf32>
      %mul3A_376 = arith.constant 2.000000e+00 : f32
      %mul3A_377 = vector.broadcast %mul3A_376 : f32 to vector<16xf32>
      %mul3A_378 = arith.mulf %mul3A_377, %mul3A_375 : vector<16xf32>
      %sub3A_379 = arith.subf %add3A_350, %mul3A_378 : vector<16xf32>
      %sub3A_380 = arith.subf %select_n3A_295, %div3A_290 : vector<16xf32>
      %mul3A_381 = arith.mulf %sub3A_380, %sub3A_380 : vector<16xf32>
      %sub3A_382 = arith.subf %get3A_187, %get3A_142 : vector<16xf32>
      %add3A_383 = arith.constant 1152 : i32
      %add3A_384 = arith.addi %add3A_123, %add3A_383 : i32
      %get3A_385 = arith.index_cast %add3A_384 : i32 to index
      %get3A_386 = tpu.vector_load %arg6[%get3A_385] {strides = array<i32>} : memref<16384xf32, #tpu.memory_space<vmem>>, vector<16xf32>,
      %sub3A_387 = arith.subf %get3A_207, %get3A_386 : vector<16xf32>
      %mul3A_388 = arith.mulf %sub3A_382, %sub3A_382 : vector<16xf32>
      %mul3A_389 = arith.mulf %sub3A_387, %sub3A_387 : vector<16xf32>
      %add3A_390 = arith.addf %mul3A_388, %mul3A_389 : vector<16xf32>
      %broadcast_in_dim3A_391 = arith.constant 0.000000e+00 : f32
      %broadcast_in_dim3A_392 = vector.broadcast %broadcast_in_dim3A_391 : f32 to vector<16xf32>
      %add3A_393 = arith.constant 1280 : i32
      %add3A_394 = arith.addi %add3A_123, %add3A_393 : i32
      %get3A_395 = arith.index_cast %add3A_394 : i32 to index
      %get3A_396 = tpu.vector_load %arg5[%get3A_395] {strides = array<i32>} : memref<16384xf32, #tpu.memory_space<vmem>>, vector<16xf32>,
      %add3A_397 = arith.constant 1280 : i32
      %add3A_398 = arith.addi %add3A_123, %add3A_397 : i32
      %get3A_399 = arith.index_cast %add3A_398 : i32 to index
      %get3A_400 = tpu.vector_load %arg6[%get3A_399] {strides = array<i32>} : memref<16384xf32, #tpu.memory_space<vmem>>, vector<16xf32>,
      %sub3A_401 = arith.subf %get3A_396, %get3A_400 : vector<16xf32>
      %mul3A_402 = arith.mulf %sub3A_401, %sub3A_401 : vector<16xf32>
      %add3A_403 = arith.addf %broadcast_in_dim3A_392, %mul3A_402 : vector<16xf32>
      %add3A_404 = arith.constant 1408 : i32
      %add3A_405 = arith.addi %add3A_123, %add3A_404 : i32
      %get3A_406 = arith.index_cast %add3A_405 : i32 to index
      %get3A_407 = tpu.vector_load %arg5[%get3A_406] {strides = array<i32>} : memref<16384xf32, #tpu.memory_space<vmem>>, vector<16xf32>,
      %add3A_408 = arith.constant 1408 : i32
      %add3A_409 = arith.addi %add3A_123, %add3A_408 : i32
      %get3A_410 = arith.index_cast %add3A_409 : i32 to index
      %get3A_411 = tpu.vector_load %arg6[%get3A_410] {strides = array<i32>} : memref<16384xf32, #tpu.memory_space<vmem>>, vector<16xf32>,
      %sub3A_412 = arith.subf %get3A_407, %get3A_411 : vector<16xf32>
      %mul3A_413 = arith.mulf %sub3A_412, %sub3A_412 : vector<16xf32>
      %add3A_414 = arith.addf %add3A_403, %mul3A_413 : vector<16xf32>
      %add3A_415 = arith.constant 1536 : i32
      %add3A_416 = arith.addi %add3A_123, %add3A_415 : i32
      %get3A_417 = arith.index_cast %add3A_416 : i32 to index
      %get3A_418 = tpu.vector_load %arg5[%get3A_417] {strides = array<i32>} : memref<16384xf32, #tpu.memory_space<vmem>>, vector<16xf32>,
      %add3A_419 = arith.constant 1536 : i32
      %add3A_420 = arith.addi %add3A_123, %add3A_419 : i32
      %get3A_421 = arith.index_cast %add3A_420 : i32 to index
      %get3A_422 = tpu.vector_load %arg6[%get3A_421] {strides = array<i32>} : memref<16384xf32, #tpu.memory_space<vmem>>, vector<16xf32>,
      %sub3A_423 = arith.subf %get3A_418, %get3A_422 : vector<16xf32>
      %mul3A_424 = arith.mulf %sub3A_423, %sub3A_423 : vector<16xf32>
      %add3A_425 = arith.addf %add3A_414, %mul3A_424 : vector<16xf32>
      %add3A_426 = arith.constant 1664 : i32
      %add3A_427 = arith.addi %add3A_123, %add3A_426 : i32
      %get3A_428 = arith.index_cast %add3A_427 : i32 to index
      %get3A_429 = tpu.vector_load %arg5[%get3A_428] {strides = array<i32>} : memref<16384xf32, #tpu.memory_space<vmem>>, vector<16xf32>,
      %add3A_430 = arith.constant 1664 : i32
      %add3A_431 = arith.addi %add3A_123, %add3A_430 : i32
      %get3A_432 = arith.index_cast %add3A_431 : i32 to index
      %get3A_433 = tpu.vector_load %arg6[%get3A_432] {strides = array<i32>} : memref<16384xf32, #tpu.memory_space<vmem>>, vector<16xf32>,
      %sub3A_434 = arith.subf %get3A_429, %get3A_433 : vector<16xf32>
      %mul3A_435 = arith.mulf %sub3A_434, %sub3A_434 : vector<16xf32>
      %add3A_436 = arith.addf %add3A_425, %mul3A_435 : vector<16xf32>
      %add3A_437 = arith.constant 1792 : i32
      %add3A_438 = arith.addi %add3A_123, %add3A_437 : i32
      %get3A_439 = arith.index_cast %add3A_438 : i32 to index
      %get3A_440 = tpu.vector_load %arg5[%get3A_439] {strides = array<i32>} : memref<16384xf32, #tpu.memory_space<vmem>>, vector<16xf32>,
      %add3A_441 = arith.constant 1792 : i32
      %add3A_442 = arith.addi %add3A_123, %add3A_441 : i32
      %get3A_443 = arith.index_cast %add3A_442 : i32 to index
      %get3A_444 = tpu.vector_load %arg6[%get3A_443] {strides = array<i32>} : memref<16384xf32, #tpu.memory_space<vmem>>, vector<16xf32>,
      %sub3A_445 = arith.subf %get3A_440, %get3A_444 : vector<16xf32>
      %mul3A_446 = arith.mulf %sub3A_445, %sub3A_445 : vector<16xf32>
      %add3A_447 = arith.addf %add3A_436, %mul3A_446 : vector<16xf32>
      %add3A_448 = arith.constant 1920 : i32
      %add3A_449 = arith.addi %add3A_123, %add3A_448 : i32
      %get3A_450 = arith.index_cast %add3A_449 : i32 to index
      %get3A_451 = tpu.vector_load %arg5[%get3A_450] {strides = array<i32>} : memref<16384xf32, #tpu.memory_space<vmem>>, vector<16xf32>,
      %add3A_452 = arith.constant 1920 : i32
      %add3A_453 = arith.addi %add3A_123, %add3A_452 : i32
      %get3A_454 = arith.index_cast %add3A_453 : i32 to index
      %get3A_455 = tpu.vector_load %arg6[%get3A_454] {strides = array<i32>} : memref<16384xf32, #tpu.memory_space<vmem>>, vector<16xf32>,
      %sub3A_456 = arith.subf %get3A_451, %get3A_455 : vector<16xf32>
      %mul3A_457 = arith.mulf %sub3A_456, %sub3A_456 : vector<16xf32>
      %add3A_458 = arith.addf %add3A_447, %mul3A_457 : vector<16xf32>
      %add3A_459 = arith.constant 2048 : i32
      %add3A_460 = arith.addi %add3A_123, %add3A_459 : i32
      %get3A_461 = arith.index_cast %add3A_460 : i32 to index
      %get3A_462 = tpu.vector_load %arg5[%get3A_461] {strides = array<i32>} : memref<16384xf32, #tpu.memory_space<vmem>>, vector<16xf32>,
      %add3A_463 = arith.constant 2048 : i32
      %add3A_464 = arith.addi %add3A_123, %add3A_463 : i32
      %get3A_465 = arith.index_cast %add3A_464 : i32 to index
      %get3A_466 = tpu.vector_load %arg6[%get3A_465] {strides = array<i32>} : memref<16384xf32, #tpu.memory_space<vmem>>, vector<16xf32>,
      %sub3A_467 = arith.subf %get3A_462, %get3A_466 : vector<16xf32>
      %mul3A_468 = arith.mulf %sub3A_467, %sub3A_467 : vector<16xf32>
      %add3A_469 = arith.addf %add3A_458, %mul3A_468 : vector<16xf32>
      %add3A_470 = arith.constant 2176 : i32
      %add3A_471 = arith.addi %add3A_123, %add3A_470 : i32
      %get3A_472 = arith.index_cast %add3A_471 : i32 to index
      %get3A_473 = tpu.vector_load %arg5[%get3A_472] {strides = array<i32>} : memref<16384xf32, #tpu.memory_space<vmem>>, vector<16xf32>,
      %add3A_474 = arith.constant 2176 : i32
      %add3A_475 = arith.addi %add3A_123, %add3A_474 : i32
      %get3A_476 = arith.index_cast %add3A_475 : i32 to index
      %get3A_477 = tpu.vector_load %arg6[%get3A_476] {strides = array<i32>} : memref<16384xf32, #tpu.memory_space<vmem>>, vector<16xf32>,
      %sub3A_478 = arith.subf %get3A_473, %get3A_477 : vector<16xf32>
      %mul3A_479 = arith.mulf %sub3A_478, %sub3A_478 : vector<16xf32>
      %add3A_480 = arith.addf %add3A_469, %mul3A_479 : vector<16xf32>
      %add3A_481 = arith.constant 2304 : i32
      %add3A_482 = arith.addi %add3A_123, %add3A_481 : i32
      %get3A_483 = arith.index_cast %add3A_482 : i32 to index
      %get3A_484 = tpu.vector_load %arg5[%get3A_483] {strides = array<i32>} : memref<16384xf32, #tpu.memory_space<vmem>>, vector<16xf32>,
      %add3A_485 = arith.constant 2304 : i32
      %add3A_486 = arith.addi %add3A_123, %add3A_485 : i32
      %get3A_487 = arith.index_cast %add3A_486 : i32 to index
      %get3A_488 = tpu.vector_load %arg6[%get3A_487] {strides = array<i32>} : memref<16384xf32, #tpu.memory_space<vmem>>, vector<16xf32>,
      %sub3A_489 = arith.subf %get3A_484, %get3A_488 : vector<16xf32>
      %mul3A_490 = arith.mulf %sub3A_489, %sub3A_489 : vector<16xf32>
      %add3A_491 = arith.addf %add3A_480, %mul3A_490 : vector<16xf32>
      %add3A_492 = arith.constant 2432 : i32
      %add3A_493 = arith.addi %add3A_123, %add3A_492 : i32
      %get3A_494 = arith.index_cast %add3A_493 : i32 to index
      %get3A_495 = tpu.vector_load %arg5[%get3A_494] {strides = array<i32>} : memref<16384xf32, #tpu.memory_space<vmem>>, vector<16xf32>,
      %add3A_496 = arith.constant 2432 : i32
      %add3A_497 = arith.addi %add3A_123, %add3A_496 : i32
      %get3A_498 = arith.index_cast %add3A_497 : i32 to index
      %get3A_499 = tpu.vector_load %arg6[%get3A_498] {strides = array<i32>} : memref<16384xf32, #tpu.memory_space<vmem>>, vector<16xf32>,
      %sub3A_500 = arith.subf %get3A_495, %get3A_499 : vector<16xf32>
      %mul3A_501 = arith.mulf %sub3A_500, %sub3A_500 : vector<16xf32>
      %add3A_502 = arith.addf %add3A_491, %mul3A_501 : vector<16xf32>
      %add3A_503 = arith.constant 2560 : i32
      %add3A_504 = arith.addi %add3A_123, %add3A_503 : i32
      %get3A_505 = arith.index_cast %add3A_504 : i32 to index
      %get3A_506 = tpu.vector_load %arg5[%get3A_505] {strides = array<i32>} : memref<16384xf32, #tpu.memory_space<vmem>>, vector<16xf32>,
      %add3A_507 = arith.constant 2560 : i32
      %add3A_508 = arith.addi %add3A_123, %add3A_507 : i32
      %get3A_509 = arith.index_cast %add3A_508 : i32 to index
      %get3A_510 = tpu.vector_load %arg6[%get3A_509] {strides = array<i32>} : memref<16384xf32, #tpu.memory_space<vmem>>, vector<16xf32>,
      %sub3A_511 = arith.subf %get3A_506, %get3A_510 : vector<16xf32>
      %mul3A_512 = arith.mulf %sub3A_511, %sub3A_511 : vector<16xf32>
      %add3A_513 = arith.addf %add3A_502, %mul3A_512 : vector<16xf32>
      %add3A_514 = arith.constant 2688 : i32
      %add3A_515 = arith.addi %add3A_123, %add3A_514 : i32
      %get3A_516 = arith.index_cast %add3A_515 : i32 to index
      %get3A_517 = tpu.vector_load %arg5[%get3A_516] {strides = array<i32>} : memref<16384xf32, #tpu.memory_space<vmem>>, vector<16xf32>,
      %add3A_518 = arith.constant 2688 : i32
      %add3A_519 = arith.addi %add3A_123, %add3A_518 : i32
      %get3A_520 = arith.index_cast %add3A_519 : i32 to index
      %get3A_521 = tpu.vector_load %arg6[%get3A_520] {strides = array<i32>} : memref<16384xf32, #tpu.memory_space<vmem>>, vector<16xf32>,
      %sub3A_522 = arith.subf %get3A_517, %get3A_521 : vector<16xf32>
      %mul3A_523 = arith.mulf %sub3A_522, %sub3A_522 : vector<16xf32>
      %add3A_524 = arith.addf %add3A_513, %mul3A_523 : vector<16xf32>
      %add3A_525 = arith.constant 2816 : i32
      %add3A_526 = arith.addi %add3A_123, %add3A_525 : i32
      %get3A_527 = arith.index_cast %add3A_526 : i32 to index
      %get3A_528 = tpu.vector_load %arg5[%get3A_527] {strides = array<i32>} : memref<16384xf32, #tpu.memory_space<vmem>>, vector<16xf32>,
      %add3A_529 = arith.constant 2816 : i32
      %add3A_530 = arith.addi %add3A_123, %add3A_529 : i32
      %get3A_531 = arith.index_cast %add3A_530 : i32 to index
      %get3A_532 = tpu.vector_load %arg6[%get3A_531] {strides = array<i32>} : memref<16384xf32, #tpu.memory_space<vmem>>, vector<16xf32>,
      %sub3A_533 = arith.subf %get3A_528, %get3A_532 : vector<16xf32>
      %mul3A_534 = arith.mulf %sub3A_533, %sub3A_533 : vector<16xf32>
      %add3A_535 = arith.addf %add3A_524, %mul3A_534 : vector<16xf32>
      %add3A_536 = arith.constant 2944 : i32
      %add3A_537 = arith.addi %add3A_123, %add3A_536 : i32
      %get3A_538 = arith.index_cast %add3A_537 : i32 to index
      %get3A_539 = tpu.vector_load %arg5[%get3A_538] {strides = array<i32>} : memref<16384xf32, #tpu.memory_space<vmem>>, vector<16xf32>,
      %add3A_540 = arith.constant 2944 : i32
      %add3A_541 = arith.addi %add3A_123, %add3A_540 : i32
      %get3A_542 = arith.index_cast %add3A_541 : i32 to index
      %get3A_543 = tpu.vector_load %arg6[%get3A_542] {strides = array<i32>} : memref<16384xf32, #tpu.memory_space<vmem>>, vector<16xf32>,
      %sub3A_544 = arith.subf %get3A_539, %get3A_543 : vector<16xf32>
      %mul3A_545 = arith.mulf %sub3A_544, %sub3A_544 : vector<16xf32>
      %add3A_546 = arith.addf %add3A_535, %mul3A_545 : vector<16xf32>
      %add3A_547 = arith.constant 3072 : i32
      %add3A_548 = arith.addi %add3A_123, %add3A_547 : i32
      %get3A_549 = arith.index_cast %add3A_548 : i32 to index
      %get3A_550 = tpu.vector_load %arg5[%get3A_549] {strides = array<i32>} : memref<16384xf32, #tpu.memory_space<vmem>>, vector<16xf32>,
      %add3A_551 = arith.constant 3072 : i32
      %add3A_552 = arith.addi %add3A_123, %add3A_551 : i32
      %get3A_553 = arith.index_cast %add3A_552 : i32 to index
      %get3A_554 = tpu.vector_load %arg6[%get3A_553] {strides = array<i32>} : memref<16384xf32, #tpu.memory_space<vmem>>, vector<16xf32>,
      %sub3A_555 = arith.subf %get3A_550, %get3A_554 : vector<16xf32>
      %mul3A_556 = arith.mulf %sub3A_555, %sub3A_555 : vector<16xf32>
      %add3A_557 = arith.addf %add3A_546, %mul3A_556 : vector<16xf32>
      %add3A_558 = arith.constant 3200 : i32
      %add3A_559 = arith.addi %add3A_123, %add3A_558 : i32
      %get3A_560 = arith.index_cast %add3A_559 : i32 to index
      %get3A_561 = tpu.vector_load %arg5[%get3A_560] {strides = array<i32>} : memref<16384xf32, #tpu.memory_space<vmem>>, vector<16xf32>,
      %add3A_562 = arith.constant 3200 : i32
      %add3A_563 = arith.addi %add3A_123, %add3A_562 : i32
      %get3A_564 = arith.index_cast %add3A_563 : i32 to index
      %get3A_565 = tpu.vector_load %arg6[%get3A_564] {strides = array<i32>} : memref<16384xf32, #tpu.memory_space<vmem>>, vector<16xf32>,
      %sub3A_566 = arith.subf %get3A_561, %get3A_565 : vector<16xf32>
      %mul3A_567 = arith.mulf %sub3A_566, %sub3A_566 : vector<16xf32>
      %add3A_568 = arith.addf %add3A_557, %mul3A_567 : vector<16xf32>
      %add3A_569 = arith.constant 3328 : i32
      %add3A_570 = arith.addi %add3A_123, %add3A_569 : i32
      %get3A_571 = arith.index_cast %add3A_570 : i32 to index
      %get3A_572 = tpu.vector_load %arg5[%get3A_571] {strides = array<i32>} : memref<16384xf32, #tpu.memory_space<vmem>>, vector<16xf32>,
      %add3A_573 = arith.constant 3328 : i32
      %add3A_574 = arith.addi %add3A_123, %add3A_573 : i32
      %get3A_575 = arith.index_cast %add3A_574 : i32 to index
      %get3A_576 = tpu.vector_load %arg6[%get3A_575] {strides = array<i32>} : memref<16384xf32, #tpu.memory_space<vmem>>, vector<16xf32>,
      %sub3A_577 = arith.subf %get3A_572, %get3A_576 : vector<16xf32>
      %mul3A_578 = arith.mulf %sub3A_577, %sub3A_577 : vector<16xf32>
      %add3A_579 = arith.addf %add3A_568, %mul3A_578 : vector<16xf32>
      %add3A_580 = arith.constant 3456 : i32
      %add3A_581 = arith.addi %add3A_123, %add3A_580 : i32
      %get3A_582 = arith.index_cast %add3A_581 : i32 to index
      %get3A_583 = tpu.vector_load %arg5[%get3A_582] {strides = array<i32>} : memref<16384xf32, #tpu.memory_space<vmem>>, vector<16xf32>,
      %add3A_584 = arith.constant 3456 : i32
      %add3A_585 = arith.addi %add3A_123, %add3A_584 : i32
      %get3A_586 = arith.index_cast %add3A_585 : i32 to index
      %get3A_587 = tpu.vector_load %arg6[%get3A_586] {strides = array<i32>} : memref<16384xf32, #tpu.memory_space<vmem>>, vector<16xf32>,
      %sub3A_588 = arith.subf %get3A_583, %get3A_587 : vector<16xf32>
      %mul3A_589 = arith.mulf %sub3A_588, %sub3A_588 : vector<16xf32>
      %add3A_590 = arith.addf %add3A_579, %mul3A_589 : vector<16xf32>
      %add3A_591 = arith.constant 3584 : i32
      %add3A_592 = arith.addi %add3A_123, %add3A_591 : i32
      %get3A_593 = arith.index_cast %add3A_592 : i32 to index
      %get3A_594 = tpu.vector_load %arg5[%get3A_593] {strides = array<i32>} : memref<16384xf32, #tpu.memory_space<vmem>>, vector<16xf32>,
      %add3A_595 = arith.constant 3584 : i32
      %add3A_596 = arith.addi %add3A_123, %add3A_595 : i32
      %get3A_597 = arith.index_cast %add3A_596 : i32 to index
      %get3A_598 = tpu.vector_load %arg6[%get3A_597] {strides = array<i32>} : memref<16384xf32, #tpu.memory_space<vmem>>, vector<16xf32>,
      %sub3A_599 = arith.subf %get3A_594, %get3A_598 : vector<16xf32>
      %mul3A_600 = arith.mulf %sub3A_599, %sub3A_599 : vector<16xf32>
      %add3A_601 = arith.addf %add3A_590, %mul3A_600 : vector<16xf32>
      %add3A_602 = arith.constant 3712 : i32
      %add3A_603 = arith.addi %add3A_123, %add3A_602 : i32
      %get3A_604 = arith.index_cast %add3A_603 : i32 to index
      %get3A_605 = tpu.vector_load %arg5[%get3A_604] {strides = array<i32>} : memref<16384xf32, #tpu.memory_space<vmem>>, vector<16xf32>,
      %add3A_606 = arith.constant 3712 : i32
      %add3A_607 = arith.addi %add3A_123, %add3A_606 : i32
      %get3A_608 = arith.index_cast %add3A_607 : i32 to index
      %get3A_609 = tpu.vector_load %arg6[%get3A_608] {strides = array<i32>} : memref<16384xf32, #tpu.memory_space<vmem>>, vector<16xf32>,
      %sub3A_610 = arith.subf %get3A_605, %get3A_609 : vector<16xf32>
      %mul3A_611 = arith.mulf %sub3A_610, %sub3A_610 : vector<16xf32>
      %add3A_612 = arith.addf %add3A_601, %mul3A_611 : vector<16xf32>
      %gt3A_613 = arith.constant 0.000000e+00 : f32
      %gt3A_614 = vector.broadcast %gt3A_613 : f32 to vector<16xf32>
      %gt3A_615 = arith.cmpf ogt, %get3A_142, %gt3A_614 : vector<16xf32>
      %jit3A_616 = arith.constant 1.000000e+00 : f32
      %jit3A_617 = arith.constant 0.000000e+00 : f32
      %broadcast_in_dim3A_618 = vector.broadcast %jit3A_616 : f32 to vector<16xf32>
      %broadcast_in_dim3A_619 = vector.broadcast %jit3A_617 : f32 to vector<16xf32>
      %select_n3A_620 = arith.select %gt3A_615, %broadcast_in_dim3A_618, %broadcast_in_dim3A_619 : vector<16xi1>, vector<16xf32>
      %eq3A = arith.constant 0.000000e+00 : f32
      %eq3A_621 = vector.broadcast %eq3A : f32 to vector<16xf32>
      %eq3A_622 = arith.cmpf oeq, %get3A_142, %eq3A_621 : vector<16xf32>
      %jit3A_623 = arith.constant 1.000000e+00 : f32
      %jit3A_624 = arith.constant 0.000000e+00 : f32
      %broadcast_in_dim3A_625 = vector.broadcast %jit3A_623 : f32 to vector<16xf32>
      %broadcast_in_dim3A_626 = vector.broadcast %jit3A_624 : f32 to vector<16xf32>
      %select_n3A_627 = arith.select %eq3A_622, %broadcast_in_dim3A_625, %broadcast_in_dim3A_626 : vector<16xi1>, vector<16xf32>
      %add3A_628 = arith.addf %add3A_320, %sub3A_379 : vector<16xf32>
      %mul3A_629 = arith.constant 5.000000e+00 : f32
      %mul3A_630 = vector.broadcast %mul3A_629 : f32 to vector<16xf32>
      %mul3A_631 = arith.mulf %mul3A_630, %add3A_628 : vector<16xf32>
      %add3A_632 = arith.addf %mul3A_631, %mul3A_381 : vector<16xf32>
      %add3A_633 = arith.addf %add3A_632, %add3A_612 : vector<16xf32>
      %mul3A_634 = arith.mulf %select_n3A_620, %add3A_633 : vector<16xf32>
      %mul3A_635 = arith.constant 5.000000e-01 : f32
      %mul3A_636 = vector.broadcast %mul3A_635 : f32 to vector<16xf32>
      %mul3A_637 = arith.mulf %mul3A_636, %select_n3A_627 : vector<16xf32>
      %mul3A_638 = arith.mulf %mul3A_637, %add3A_390 : vector<16xf32>
      %add3A_639 = arith.addf %mul3A_634, %mul3A_638 : vector<16xf32>
      %add3A_640 = arith.addf %while3A_90, %add3A_639 : vector<16xf32>
      scf.yield %add3A_640 : vector<16xf32>
    }
    %while3A_86 = arith.constant 1 : i32
    %while3A_87 = scf.for %while3A_89 = %while3A_83 to %while3A_79 step %while3A_86 iter_args(%while3A_90 = %while3A_85) -> (vector<16xf32>)  : i32 {
      %jit3A_91 = arith.constant 8 : i32
      %div3A_92 = arith.divsi %while3A_89, %jit3A_91 : i32
      %sign3A_93 = arith.constant 0 : i32
      %sign3A_94 = arith.cmpi sgt, %while3A_89, %sign3A_93 : i32
      %sign3A_95 = arith.extui %sign3A_94 : i1 to i32
      %sign3A_96 = arith.constant 0 : i32
      %sign3A_97 = arith.cmpi slt, %while3A_89, %sign3A_96 : i32
      %sign3A_98 = arith.extui %sign3A_97 : i1 to i32
      %sign3A_99 = arith.subi %sign3A_95, %sign3A_98 : i32
      %sign3A_100 = arith.constant 0 : i32
      %sign3A_101 = arith.cmpi sgt, %jit3A_91, %sign3A_100 : i32
      %sign3A_102 = arith.extui %sign3A_101 : i1 to i32
      %sign3A_103 = arith.constant 0 : i32
      %sign3A_104 = arith.cmpi slt, %jit3A_91, %sign3A_103 : i32
      %sign3A_105 = arith.extui %sign3A_104 : i1 to i32
      %sign3A_106 = arith.subi %sign3A_102, %sign3A_105 : i32
      %ne3A_107 = arith.cmpi ne, %sign3A_99, %sign3A_106 : i32
      %rem3A_108 = arith.remsi %while3A_89, %jit3A_91 : i32
      %ne3A_109 = arith.constant 0 : i32
      %ne3A_110 = arith.cmpi ne, %rem3A_108, %ne3A_109 : i32
      %and3A_111 = arith.andi %ne3A_107, %ne3A_110 : i1
      %sub3A_112 = arith.constant 1 : i32
      %sub3A_113 = arith.subi %div3A_92, %sub3A_112 : i32
      %select_n3A_114 = arith.select %and3A_111, %sub3A_113, %div3A_92 : i32
      %mul3A_115 = arith.constant 8 : i32
      %mul3A_116 = arith.muli %select_n3A_114, %mul3A_115 : i32
      %sub3A_117 = arith.subi %while3A_89, %mul3A_116 : i32
      %sub3A_118 = arith.subi %select_n3A_114, %select_n3A_67 : i32
      %mul3A_119 = arith.constant 4096 : i32
      %mul3A_120 = arith.muli %sub3A_118, %mul3A_119 : i32
      %mul3A_121 = arith.constant 16 : i32
      %mul3A_122 = arith.muli %sub3A_117, %mul3A_121 : i32
      %add3A_123 = arith.addi %mul3A_120, %mul3A_122 : i32
      %add3A_124 = arith.constant 0 : i32
      %add3A_125 = arith.addi %add3A_123, %add3A_124 : i32
      %get3A = arith.index_cast %add3A_125 : i32 to index
      %get3A_126 = tpu.vector_load %arg6[%get3A] {strides = array<i32>} : memref<16384xf32, #tpu.memory_space<vmem>>, vector<16xf32>,
      %add3A_127 = arith.constant 128 : i32
      %add3A_128 = arith.addi %add3A_123, %add3A_127 : i32
      %get3A_129 = arith.index_cast %add3A_128 : i32 to index
      %get3A_130 = tpu.vector_load %arg6[%get3A_129] {strides = array<i32>} : memref<16384xf32, #tpu.memory_space<vmem>>, vector<16xf32>,
      %add3A_131 = arith.constant 256 : i32
      %add3A_132 = arith.addi %add3A_123, %add3A_131 : i32
      %get3A_133 = arith.index_cast %add3A_132 : i32 to index
      %get3A_134 = tpu.vector_load %arg6[%get3A_133] {strides = array<i32>} : memref<16384xf32, #tpu.memory_space<vmem>>, vector<16xf32>,
      %add3A_135 = arith.constant 384 : i32
      %add3A_136 = arith.addi %add3A_123, %add3A_135 : i32
      %get3A_137 = arith.index_cast %add3A_136 : i32 to index
      %get3A_138 = tpu.vector_load %arg6[%get3A_137] {strides = array<i32>} : memref<16384xf32, #tpu.memory_space<vmem>>, vector<16xf32>,
      %add3A_139 = arith.constant 512 : i32
      %add3A_140 = arith.addi %add3A_123, %add3A_139 : i32
      %get3A_141 = arith.index_cast %add3A_140 : i32 to index
      %get3A_142 = tpu.vector_load %arg6[%get3A_141] {strides = array<i32>} : memref<16384xf32, #tpu.memory_space<vmem>>, vector<16xf32>,
      %mul3A_143 = arith.constant 0.142857149 : f32
      %mul3A_144 = vector.broadcast %mul3A_143 : f32 to vector<16xf32>
      %mul3A_145 = arith.mulf %get3A_126, %mul3A_144 : vector<16xf32>
      %mul3A_146 = arith.constant 0.142857149 : f32
      %mul3A_147 = vector.broadcast %mul3A_146 : f32 to vector<16xf32>
      %mul3A_148 = arith.mulf %get3A_130, %mul3A_147 : vector<16xf32>
      %mul3A_149 = arith.constant 5.000000e-01 : f32
      %mul3A_150 = vector.broadcast %mul3A_149 : f32 to vector<16xf32>
      %mul3A_151 = arith.mulf %mul3A_150, %get3A_134 : vector<16xf32>
      %sub3A_152 = arith.subf %mul3A_145, %mul3A_151 : vector<16xf32>
      %mul3A_153 = arith.constant 5.000000e-01 : f32
      %mul3A_154 = vector.broadcast %mul3A_153 : f32 to vector<16xf32>
      %mul3A_155 = arith.mulf %mul3A_154, %get3A_138 : vector<16xf32>
      %sub3A_156 = arith.subf %mul3A_148, %mul3A_155 : vector<16xf32>
      %mul3A_157 = arith.constant 5.000000e-01 : f32
      %mul3A_158 = vector.broadcast %mul3A_157 : f32 to vector<16xf32>
      %mul3A_159 = arith.mulf %mul3A_158, %get3A_134 : vector<16xf32>
      %add3A_160 = arith.addf %mul3A_145, %mul3A_159 : vector<16xf32>
      %mul3A_161 = arith.constant 5.000000e-01 : f32
      %mul3A_162 = vector.broadcast %mul3A_161 : f32 to vector<16xf32>
      %mul3A_163 = arith.mulf %mul3A_162, %get3A_138 : vector<16xf32>
      %add3A_164 = arith.addf %mul3A_148, %mul3A_163 : vector<16xf32>
      %sub3A_165 = arith.subf %add3A_160, %sub3A_152 : vector<16xf32>
      %sub3A_166 = arith.subf %add3A_164, %sub3A_156 : vector<16xf32>
      %mul3A_167 = arith.mulf %sub3A_165, %sub3A_166 : vector<16xf32>
      %add3A_168 = arith.constant 0 : i32
      %add3A_169 = arith.addi %add3A_123, %add3A_168 : i32
      %get3A_170 = arith.index_cast %add3A_169 : i32 to index
      %get3A_171 = tpu.vector_load %arg5[%get3A_170] {strides = array<i32>} : memref<16384xf32, #tpu.memory_space<vmem>>, vector<16xf32>,
      %add3A_172 = arith.constant 128 : i32
      %add3A_173 = arith.addi %add3A_123, %add3A_172 : i32
      %get3A_174 = arith.index_cast %add3A_173 : i32 to index
      %get3A_175 = tpu.vector_load %arg5[%get3A_174] {strides = array<i32>} : memref<16384xf32, #tpu.memory_space<vmem>>, vector<16xf32>,
      %add3A_176 = arith.constant 256 : i32
      %add3A_177 = arith.addi %add3A_123, %add3A_176 : i32
      %get3A_178 = arith.index_cast %add3A_177 : i32 to index
      %get3A_179 = tpu.vector_load %arg5[%get3A_178] {strides = array<i32>} : memref<16384xf32, #tpu.memory_space<vmem>>, vector<16xf32>,
      %add3A_180 = arith.constant 384 : i32
      %add3A_181 = arith.addi %add3A_123, %add3A_180 : i32
      %get3A_182 = arith.index_cast %add3A_181 : i32 to index
      %get3A_183 = tpu.vector_load %arg5[%get3A_182] {strides = array<i32>} : memref<16384xf32, #tpu.memory_space<vmem>>, vector<16xf32>,
      %add3A_184 = arith.constant 512 : i32
      %add3A_185 = arith.addi %add3A_123, %add3A_184 : i32
      %get3A_186 = arith.index_cast %add3A_185 : i32 to index
      %get3A_187 = tpu.vector_load %arg5[%get3A_186] {strides = array<i32>} : memref<16384xf32, #tpu.memory_space<vmem>>, vector<16xf32>,
      %add3A_188 = arith.constant 640 : i32
      %add3A_189 = arith.addi %add3A_123, %add3A_188 : i32
      %get3A_190 = arith.index_cast %add3A_189 : i32 to index
      %get3A_191 = tpu.vector_load %arg5[%get3A_190] {strides = array<i32>} : memref<16384xf32, #tpu.memory_space<vmem>>, vector<16xf32>,
      %add3A_192 = arith.constant 768 : i32
      %add3A_193 = arith.addi %add3A_123, %add3A_192 : i32
      %get3A_194 = arith.index_cast %add3A_193 : i32 to index
      %get3A_195 = tpu.vector_load %arg5[%get3A_194] {strides = array<i32>} : memref<16384xf32, #tpu.memory_space<vmem>>, vector<16xf32>,
      %add3A_196 = arith.constant 896 : i32
      %add3A_197 = arith.addi %add3A_123, %add3A_196 : i32
      %get3A_198 = arith.index_cast %add3A_197 : i32 to index
      %get3A_199 = tpu.vector_load %arg5[%get3A_198] {strides = array<i32>} : memref<16384xf32, #tpu.memory_space<vmem>>, vector<16xf32>,
      %add3A_200 = arith.constant 1024 : i32
      %add3A_201 = arith.addi %add3A_123, %add3A_200 : i32
      %get3A_202 = arith.index_cast %add3A_201 : i32 to index
      %get3A_203 = tpu.vector_load %arg5[%get3A_202] {strides = array<i32>} : memref<16384xf32, #tpu.memory_space<vmem>>, vector<16xf32>,
      %add3A_204 = arith.constant 1152 : i32
      %add3A_205 = arith.addi %add3A_123, %add3A_204 : i32
      %get3A_206 = arith.index_cast %add3A_205 : i32 to index
      %get3A_207 = tpu.vector_load %arg5[%get3A_206] {strides = array<i32>} : memref<16384xf32, #tpu.memory_space<vmem>>, vector<16xf32>,
      %mul3A_208 = arith.constant 0.142857149 : f32
      %mul3A_209 = vector.broadcast %mul3A_208 : f32 to vector<16xf32>
      %mul3A_210 = arith.mulf %get3A_171, %mul3A_209 : vector<16xf32>
      %mul3A_211 = arith.constant 0.142857149 : f32
      %mul3A_212 = vector.broadcast %mul3A_211 : f32 to vector<16xf32>
      %mul3A_213 = arith.mulf %get3A_175, %mul3A_212 : vector<16xf32>
      %mul3A_214 = arith.constant 5.000000e-01 : f32
      %mul3A_215 = vector.broadcast %mul3A_214 : f32 to vector<16xf32>
      %mul3A_216 = arith.mulf %mul3A_215, %get3A_179 : vector<16xf32>
      %sub3A_217 = arith.subf %mul3A_210, %mul3A_216 : vector<16xf32>
      %mul3A_218 = arith.constant 5.000000e-01 : f32
      %mul3A_219 = vector.broadcast %mul3A_218 : f32 to vector<16xf32>
      %mul3A_220 = arith.mulf %mul3A_219, %get3A_183 : vector<16xf32>
      %sub3A_221 = arith.subf %mul3A_213, %mul3A_220 : vector<16xf32>
      %mul3A_222 = arith.constant 5.000000e-01 : f32
      %mul3A_223 = vector.broadcast %mul3A_222 : f32 to vector<16xf32>
      %mul3A_224 = arith.mulf %mul3A_223, %get3A_179 : vector<16xf32>
      %add3A_225 = arith.addf %mul3A_210, %mul3A_224 : vector<16xf32>
      %mul3A_226 = arith.constant 5.000000e-01 : f32
      %mul3A_227 = vector.broadcast %mul3A_226 : f32 to vector<16xf32>
      %mul3A_228 = arith.mulf %mul3A_227, %get3A_183 : vector<16xf32>
      %add3A_229 = arith.addf %mul3A_213, %mul3A_228 : vector<16xf32>
      %min3A = arith.minimumf %add3A_225, %add3A_160 : vector<16xf32>
      %max3A = arith.maximumf %sub3A_217, %sub3A_152 : vector<16xf32>
      %sub3A_230 = arith.subf %min3A, %max3A : vector<16xf32>
      %max3A_231 = arith.constant 0.000000e+00 : f32
      %max3A_232 = vector.broadcast %max3A_231 : f32 to vector<16xf32>
      %max3A_233 = arith.maximumf %sub3A_230, %max3A_232 : vector<16xf32>
      %min3A_234 = arith.minimumf %add3A_229, %add3A_164 : vector<16xf32>
      %max3A_235 = arith.maximumf %sub3A_221, %sub3A_156 : vector<16xf32>
      %sub3A_236 = arith.subf %min3A_234, %max3A_235 : vector<16xf32>
      %max3A_237 = arith.constant 0.000000e+00 : f32
      %max3A_238 = vector.broadcast %max3A_237 : f32 to vector<16xf32>
      %max3A_239 = arith.maximumf %sub3A_236, %max3A_238 : vector<16xf32>
      %mul3A_240 = arith.mulf %max3A_233, %max3A_239 : vector<16xf32>
      %sub3A_241 = arith.subf %add3A_225, %sub3A_217 : vector<16xf32>
      %sub3A_242 = arith.subf %add3A_229, %sub3A_221 : vector<16xf32>
      %mul3A_243 = arith.mulf %sub3A_241, %sub3A_242 : vector<16xf32>
      %add3A_244 = arith.addf %mul3A_243, %mul3A_167 : vector<16xf32>
      %sub3A_245 = arith.subf %add3A_244, %mul3A_240 : vector<16xf32>
      %mul3A_246 = arith.constant 0.142857149 : f32
      %mul3A_247 = vector.broadcast %mul3A_246 : f32 to vector<16xf32>
      %mul3A_248 = arith.mulf %get3A_191, %mul3A_247 : vector<16xf32>
      %mul3A_249 = arith.constant 0.142857149 : f32
      %mul3A_250 = vector.broadcast %mul3A_249 : f32 to vector<16xf32>
      %mul3A_251 = arith.mulf %get3A_195, %mul3A_250 : vector<16xf32>
      %mul3A_252 = arith.constant 5.000000e-01 : f32
      %mul3A_253 = vector.broadcast %mul3A_252 : f32 to vector<16xf32>
      %mul3A_254 = arith.mulf %mul3A_253, %get3A_199 : vector<16xf32>
      %sub3A_255 = arith.subf %mul3A_248, %mul3A_254 : vector<16xf32>
      %mul3A_256 = arith.constant 5.000000e-01 : f32
      %mul3A_257 = vector.broadcast %mul3A_256 : f32 to vector<16xf32>
      %mul3A_258 = arith.mulf %mul3A_257, %get3A_203 : vector<16xf32>
      %sub3A_259 = arith.subf %mul3A_251, %mul3A_258 : vector<16xf32>
      %mul3A_260 = arith.constant 5.000000e-01 : f32
      %mul3A_261 = vector.broadcast %mul3A_260 : f32 to vector<16xf32>
      %mul3A_262 = arith.mulf %mul3A_261, %get3A_199 : vector<16xf32>
      %add3A_263 = arith.addf %mul3A_248, %mul3A_262 : vector<16xf32>
      %mul3A_264 = arith.constant 5.000000e-01 : f32
      %mul3A_265 = vector.broadcast %mul3A_264 : f32 to vector<16xf32>
      %mul3A_266 = arith.mulf %mul3A_265, %get3A_203 : vector<16xf32>
      %add3A_267 = arith.addf %mul3A_251, %mul3A_266 : vector<16xf32>
      %min3A_268 = arith.minimumf %add3A_263, %add3A_160 : vector<16xf32>
      %max3A_269 = arith.maximumf %sub3A_255, %sub3A_152 : vector<16xf32>
      %sub3A_270 = arith.subf %min3A_268, %max3A_269 : vector<16xf32>
      %max3A_271 = arith.constant 0.000000e+00 : f32
      %max3A_272 = vector.broadcast %max3A_271 : f32 to vector<16xf32>
      %max3A_273 = arith.maximumf %sub3A_270, %max3A_272 : vector<16xf32>
      %min3A_274 = arith.minimumf %add3A_267, %add3A_164 : vector<16xf32>
      %max3A_275 = arith.maximumf %sub3A_259, %sub3A_156 : vector<16xf32>
      %sub3A_276 = arith.subf %min3A_274, %max3A_275 : vector<16xf32>
      %max3A_277 = arith.constant 0.000000e+00 : f32
      %max3A_278 = vector.broadcast %max3A_277 : f32 to vector<16xf32>
      %max3A_279 = arith.maximumf %sub3A_276, %max3A_278 : vector<16xf32>
      %mul3A_280 = arith.mulf %max3A_273, %max3A_279 : vector<16xf32>
      %sub3A_281 = arith.subf %add3A_263, %sub3A_255 : vector<16xf32>
      %sub3A_282 = arith.subf %add3A_267, %sub3A_259 : vector<16xf32>
      %mul3A_283 = arith.mulf %sub3A_281, %sub3A_282 : vector<16xf32>
      %add3A_284 = arith.addf %mul3A_283, %mul3A_167 : vector<16xf32>
      %sub3A_285 = arith.subf %add3A_284, %mul3A_280 : vector<16xf32>
      %mul3A_286 = arith.mulf %mul3A_280, %sub3A_245 : vector<16xf32>
      %mul3A_287 = arith.mulf %mul3A_240, %sub3A_285 : vector<16xf32>
      %gt3A = arith.cmpf ogt, %mul3A_286, %mul3A_287 : vector<16xf32>
      %select_n3A_288 = arith.select %gt3A, %mul3A_280, %mul3A_240 : vector<16xi1>, vector<16xf32>
      %select_n3A_289 = arith.select %gt3A, %sub3A_285, %sub3A_245 : vector<16xi1>, vector<16xf32>
      %div3A_290 = arith.divf %select_n3A_288, %select_n3A_289 : vector<16xf32>
      %select_n3A_291 = arith.select %gt3A, %get3A_191, %get3A_171 : vector<16xi1>, vector<16xf32>
      %select_n3A_292 = arith.select %gt3A, %get3A_195, %get3A_175 : vector<16xi1>, vector<16xf32>
      %select_n3A_293 = arith.select %gt3A, %get3A_199, %get3A_179 : vector<16xi1>, vector<16xf32>
      %select_n3A_294 = arith.select %gt3A, %get3A_203, %get3A_183 : vector<16xi1>, vector<16xf32>
      %select_n3A_295 = arith.select %gt3A, %get3A_207, %get3A_187 : vector<16xi1>, vector<16xf32>
      %add3A_296 = arith.constant 640 : i32
      %add3A_297 = arith.addi %add3A_123, %add3A_296 : i32
      %get3A_298 = arith.index_cast %add3A_297 : i32 to index
      %get3A_299 = tpu.vector_load %arg6[%get3A_298] {strides = array<i32>} : memref<16384xf32, #tpu.memory_space<vmem>>, vector<16xf32>,
      %add3A_300 = arith.constant 768 : i32
      %add3A_301 = arith.addi %add3A_123, %add3A_300 : i32
      %get3A_302 = arith.index_cast %add3A_301 : i32 to index
      %get3A_303 = tpu.vector_load %arg6[%get3A_302] {strides = array<i32>} : memref<16384xf32, #tpu.memory_space<vmem>>, vector<16xf32>,
      %add3A_304 = arith.constant 896 : i32
      %add3A_305 = arith.addi %add3A_123, %add3A_304 : i32
      %get3A_306 = arith.index_cast %add3A_305 : i32 to index
      %get3A_307 = tpu.vector_load %arg6[%get3A_306] {strides = array<i32>} : memref<16384xf32, #tpu.memory_space<vmem>>, vector<16xf32>,
      %add3A_308 = arith.constant 1024 : i32
      %add3A_309 = arith.addi %add3A_123, %add3A_308 : i32
      %get3A_310 = arith.index_cast %add3A_309 : i32 to index
      %get3A_311 = tpu.vector_load %arg6[%get3A_310] {strides = array<i32>} : memref<16384xf32, #tpu.memory_space<vmem>>, vector<16xf32>,
      %select_n3A_312 = arith.select %gt3A, %get3A_299, %get3A_126 : vector<16xi1>, vector<16xf32>
      %select_n3A_313 = arith.select %gt3A, %get3A_303, %get3A_130 : vector<16xi1>, vector<16xf32>
      %select_n3A_314 = arith.select %gt3A, %get3A_307, %get3A_134 : vector<16xi1>, vector<16xf32>
      %select_n3A_315 = arith.select %gt3A, %get3A_311, %get3A_138 : vector<16xi1>, vector<16xf32>
      %sub3A_316 = arith.subf %select_n3A_291, %select_n3A_312 : vector<16xf32>
      %sub3A_317 = arith.subf %select_n3A_292, %select_n3A_313 : vector<16xf32>
      %mul3A_318 = arith.mulf %sub3A_316, %sub3A_316 : vector<16xf32>
      %mul3A_319 = arith.mulf %sub3A_317, %sub3A_317 : vector<16xf32>
      %add3A_320 = arith.addf %mul3A_318, %mul3A_319 : vector<16xf32>
      %add3A_321 = arith.addf %select_n3A_293, %select_n3A_314 : vector<16xf32>
      %mul3A_322 = arith.mulf %select_n3A_293, %select_n3A_314 : vector<16xf32>
      %bitcast3A = vector.bitcast %mul3A_322 : vector<16xf32> to vector<16xi32>
      %shift_right_arithmetic3A = arith.constant 1 : i32
      %shift_right_arithmetic3A_323 = vector.broadcast %shift_right_arithmetic3A : i32 to vector<16xi32>
      %shift_right_arithmetic3A_324 = arith.shrsi %bitcast3A, %shift_right_arithmetic3A_323 : vector<16xi32>
      %sub3A_325 = arith.constant 1597463007 : i32
      %sub3A_326 = vector.broadcast %sub3A_325 : i32 to vector<16xi32>
      %sub3A_327 = arith.subi %sub3A_326, %shift_right_arithmetic3A_324 : vector<16xi32>
      %bitcast3A_328 = vector.bitcast %sub3A_327 : vector<16xi32> to vector<16xf32>
      %mul3A_329 = arith.constant 5.000000e-01 : f32
      %mul3A_330 = vector.broadcast %mul3A_329 : f32 to vector<16xf32>
      %mul3A_331 = arith.mulf %mul3A_330, %mul3A_322 : vector<16xf32>
      %mul3A_332 = arith.mulf %mul3A_331, %bitcast3A_328 : vector<16xf32>
      %mul3A_333 = arith.mulf %mul3A_332, %bitcast3A_328 : vector<16xf32>
      %sub3A_334 = arith.constant 1.500000e+00 : f32
      %sub3A_335 = vector.broadcast %sub3A_334 : f32 to vector<16xf32>
      %sub3A_336 = arith.subf %sub3A_335, %mul3A_333 : vector<16xf32>
      %mul3A_337 = arith.mulf %bitcast3A_328, %sub3A_336 : vector<16xf32>
      %mul3A_338 = arith.mulf %mul3A_331, %mul3A_337 : vector<16xf32>
      %mul3A_339 = arith.mulf %mul3A_338, %mul3A_337 : vector<16xf32>
      %sub3A_340 = arith.constant 1.500000e+00 : f32
      %sub3A_341 = vector.broadcast %sub3A_340 : f32 to vector<16xf32>
      %sub3A_342 = arith.subf %sub3A_341, %mul3A_339 : vector<16xf32>
      %mul3A_343 = arith.mulf %mul3A_337, %sub3A_342 : vector<16xf32>
      %mul3A_344 = arith.mulf %mul3A_322, %mul3A_343 : vector<16xf32>
      %mul3A_345 = arith.constant 2.000000e+00 : f32
      %mul3A_346 = vector.broadcast %mul3A_345 : f32 to vector<16xf32>
      %mul3A_347 = arith.mulf %mul3A_346, %mul3A_344 : vector<16xf32>
      %sub3A_348 = arith.subf %add3A_321, %mul3A_347 : vector<16xf32>
      %add3A_349 = arith.addf %sub3A_348, %select_n3A_294 : vector<16xf32>
      %add3A_350 = arith.addf %add3A_349, %select_n3A_315 : vector<16xf32>
      %mul3A_351 = arith.mulf %select_n3A_294, %select_n3A_315 : vector<16xf32>
      %bitcast3A_352 = vector.bitcast %mul3A_351 : vector<16xf32> to vector<16xi32>
      %shift_right_arithmetic3A_353 = arith.constant 1 : i32
      %shift_right_arithmetic3A_354 = vector.broadcast %shift_right_arithmetic3A_353 : i32 to vector<16xi32>
      %shift_right_arithmetic3A_355 = arith.shrsi %bitcast3A_352, %shift_right_arithmetic3A_354 : vector<16xi32>
      %sub3A_356 = arith.constant 1597463007 : i32
      %sub3A_357 = vector.broadcast %sub3A_356 : i32 to vector<16xi32>
      %sub3A_358 = arith.subi %sub3A_357, %shift_right_arithmetic3A_355 : vector<16xi32>
      %bitcast3A_359 = vector.bitcast %sub3A_358 : vector<16xi32> to vector<16xf32>
      %mul3A_360 = arith.constant 5.000000e-01 : f32
      %mul3A_361 = vector.broadcast %mul3A_360 : f32 to vector<16xf32>
      %mul3A_362 = arith.mulf %mul3A_361, %mul3A_351 : vector<16xf32>
      %mul3A_363 = arith.mulf %mul3A_362, %bitcast3A_359 : vector<16xf32>
      %mul3A_364 = arith.mulf %mul3A_363, %bitcast3A_359 : vector<16xf32>
      %sub3A_365 = arith.constant 1.500000e+00 : f32
      %sub3A_366 = vector.broadcast %sub3A_365 : f32 to vector<16xf32>
      %sub3A_367 = arith.subf %sub3A_366, %mul3A_364 : vector<16xf32>
      %mul3A_368 = arith.mulf %bitcast3A_359, %sub3A_367 : vector<16xf32>
      %mul3A_369 = arith.mulf %mul3A_362, %mul3A_368 : vector<16xf32>
      %mul3A_370 = arith.mulf %mul3A_369, %mul3A_368 : vector<16xf32>
      %sub3A_371 = arith.constant 1.500000e+00 : f32
      %sub3A_372 = vector.broadcast %sub3A_371 : f32 to vector<16xf32>
      %sub3A_373 = arith.subf %sub3A_372, %mul3A_370 : vector<16xf32>
      %mul3A_374 = arith.mulf %mul3A_368, %sub3A_373 : vector<16xf32>
      %mul3A_375 = arith.mulf %mul3A_351, %mul3A_374 : vector<16xf32>
      %mul3A_376 = arith.constant 2.000000e+00 : f32
      %mul3A_377 = vector.broadcast %mul3A_376 : f32 to vector<16xf32>
      %mul3A_378 = arith.mulf %mul3A_377, %mul3A_375 : vector<16xf32>
      %sub3A_379 = arith.subf %add3A_350, %mul3A_378 : vector<16xf32>
      %sub3A_380 = arith.subf %select_n3A_295, %div3A_290 : vector<16xf32>
      %mul3A_381 = arith.mulf %sub3A_380, %sub3A_380 : vector<16xf32>
      %sub3A_382 = arith.subf %get3A_187, %get3A_142 : vector<16xf32>
      %add3A_383 = arith.constant 1152 : i32
      %add3A_384 = arith.addi %add3A_123, %add3A_383 : i32
      %get3A_385 = arith.index_cast %add3A_384 : i32 to index
      %get3A_386 = tpu.vector_load %arg6[%get3A_385] {strides = array<i32>} : memref<16384xf32, #tpu.memory_space<vmem>>, vector<16xf32>,
      %sub3A_387 = arith.subf %get3A_207, %get3A_386 : vector<16xf32>
      %mul3A_388 = arith.mulf %sub3A_382, %sub3A_382 : vector<16xf32>
      %mul3A_389 = arith.mulf %sub3A_387, %sub3A_387 : vector<16xf32>
      %add3A_390 = arith.addf %mul3A_388, %mul3A_389 : vector<16xf32>
      %broadcast_in_dim3A_391 = arith.constant 0.000000e+00 : f32
      %broadcast_in_dim3A_392 = vector.broadcast %broadcast_in_dim3A_391 : f32 to vector<16xf32>
      %add3A_393 = arith.constant 1280 : i32
      %add3A_394 = arith.addi %add3A_123, %add3A_393 : i32
      %get3A_395 = arith.index_cast %add3A_394 : i32 to index
      %get3A_396 = tpu.vector_load %arg5[%get3A_395] {strides = array<i32>} : memref<16384xf32, #tpu.memory_space<vmem>>, vector<16xf32>,
      %add3A_397 = arith.constant 1280 : i32
      %add3A_398 = arith.addi %add3A_123, %add3A_397 : i32
      %get3A_399 = arith.index_cast %add3A_398 : i32 to index
      %get3A_400 = tpu.vector_load %arg6[%get3A_399] {strides = array<i32>} : memref<16384xf32, #tpu.memory_space<vmem>>, vector<16xf32>,
      %sub3A_401 = arith.subf %get3A_396, %get3A_400 : vector<16xf32>
      %mul3A_402 = arith.mulf %sub3A_401, %sub3A_401 : vector<16xf32>
      %add3A_403 = arith.addf %broadcast_in_dim3A_392, %mul3A_402 : vector<16xf32>
      %add3A_404 = arith.constant 1408 : i32
      %add3A_405 = arith.addi %add3A_123, %add3A_404 : i32
      %get3A_406 = arith.index_cast %add3A_405 : i32 to index
      %get3A_407 = tpu.vector_load %arg5[%get3A_406] {strides = array<i32>} : memref<16384xf32, #tpu.memory_space<vmem>>, vector<16xf32>,
      %add3A_408 = arith.constant 1408 : i32
      %add3A_409 = arith.addi %add3A_123, %add3A_408 : i32
      %get3A_410 = arith.index_cast %add3A_409 : i32 to index
      %get3A_411 = tpu.vector_load %arg6[%get3A_410] {strides = array<i32>} : memref<16384xf32, #tpu.memory_space<vmem>>, vector<16xf32>,
      %sub3A_412 = arith.subf %get3A_407, %get3A_411 : vector<16xf32>
      %mul3A_413 = arith.mulf %sub3A_412, %sub3A_412 : vector<16xf32>
      %add3A_414 = arith.addf %add3A_403, %mul3A_413 : vector<16xf32>
      %add3A_415 = arith.constant 1536 : i32
      %add3A_416 = arith.addi %add3A_123, %add3A_415 : i32
      %get3A_417 = arith.index_cast %add3A_416 : i32 to index
      %get3A_418 = tpu.vector_load %arg5[%get3A_417] {strides = array<i32>} : memref<16384xf32, #tpu.memory_space<vmem>>, vector<16xf32>,
      %add3A_419 = arith.constant 1536 : i32
      %add3A_420 = arith.addi %add3A_123, %add3A_419 : i32
      %get3A_421 = arith.index_cast %add3A_420 : i32 to index
      %get3A_422 = tpu.vector_load %arg6[%get3A_421] {strides = array<i32>} : memref<16384xf32, #tpu.memory_space<vmem>>, vector<16xf32>,
      %sub3A_423 = arith.subf %get3A_418, %get3A_422 : vector<16xf32>
      %mul3A_424 = arith.mulf %sub3A_423, %sub3A_423 : vector<16xf32>
      %add3A_425 = arith.addf %add3A_414, %mul3A_424 : vector<16xf32>
      %add3A_426 = arith.constant 1664 : i32
      %add3A_427 = arith.addi %add3A_123, %add3A_426 : i32
      %get3A_428 = arith.index_cast %add3A_427 : i32 to index
      %get3A_429 = tpu.vector_load %arg5[%get3A_428] {strides = array<i32>} : memref<16384xf32, #tpu.memory_space<vmem>>, vector<16xf32>,
      %add3A_430 = arith.constant 1664 : i32
      %add3A_431 = arith.addi %add3A_123, %add3A_430 : i32
      %get3A_432 = arith.index_cast %add3A_431 : i32 to index
      %get3A_433 = tpu.vector_load %arg6[%get3A_432] {strides = array<i32>} : memref<16384xf32, #tpu.memory_space<vmem>>, vector<16xf32>,
      %sub3A_434 = arith.subf %get3A_429, %get3A_433 : vector<16xf32>
      %mul3A_435 = arith.mulf %sub3A_434, %sub3A_434 : vector<16xf32>
      %add3A_436 = arith.addf %add3A_425, %mul3A_435 : vector<16xf32>
      %add3A_437 = arith.constant 1792 : i32
      %add3A_438 = arith.addi %add3A_123, %add3A_437 : i32
      %get3A_439 = arith.index_cast %add3A_438 : i32 to index
      %get3A_440 = tpu.vector_load %arg5[%get3A_439] {strides = array<i32>} : memref<16384xf32, #tpu.memory_space<vmem>>, vector<16xf32>,
      %add3A_441 = arith.constant 1792 : i32
      %add3A_442 = arith.addi %add3A_123, %add3A_441 : i32
      %get3A_443 = arith.index_cast %add3A_442 : i32 to index
      %get3A_444 = tpu.vector_load %arg6[%get3A_443] {strides = array<i32>} : memref<16384xf32, #tpu.memory_space<vmem>>, vector<16xf32>,
      %sub3A_445 = arith.subf %get3A_440, %get3A_444 : vector<16xf32>
      %mul3A_446 = arith.mulf %sub3A_445, %sub3A_445 : vector<16xf32>
      %add3A_447 = arith.addf %add3A_436, %mul3A_446 : vector<16xf32>
      %add3A_448 = arith.constant 1920 : i32
      %add3A_449 = arith.addi %add3A_123, %add3A_448 : i32
      %get3A_450 = arith.index_cast %add3A_449 : i32 to index
      %get3A_451 = tpu.vector_load %arg5[%get3A_450] {strides = array<i32>} : memref<16384xf32, #tpu.memory_space<vmem>>, vector<16xf32>,
      %add3A_452 = arith.constant 1920 : i32
      %add3A_453 = arith.addi %add3A_123, %add3A_452 : i32
      %get3A_454 = arith.index_cast %add3A_453 : i32 to index
      %get3A_455 = tpu.vector_load %arg6[%get3A_454] {strides = array<i32>} : memref<16384xf32, #tpu.memory_space<vmem>>, vector<16xf32>,
      %sub3A_456 = arith.subf %get3A_451, %get3A_455 : vector<16xf32>
      %mul3A_457 = arith.mulf %sub3A_456, %sub3A_456 : vector<16xf32>
      %add3A_458 = arith.addf %add3A_447, %mul3A_457 : vector<16xf32>
      %add3A_459 = arith.constant 2048 : i32
      %add3A_460 = arith.addi %add3A_123, %add3A_459 : i32
      %get3A_461 = arith.index_cast %add3A_460 : i32 to index
      %get3A_462 = tpu.vector_load %arg5[%get3A_461] {strides = array<i32>} : memref<16384xf32, #tpu.memory_space<vmem>>, vector<16xf32>,
      %add3A_463 = arith.constant 2048 : i32
      %add3A_464 = arith.addi %add3A_123, %add3A_463 : i32
      %get3A_465 = arith.index_cast %add3A_464 : i32 to index
      %get3A_466 = tpu.vector_load %arg6[%get3A_465] {strides = array<i32>} : memref<16384xf32, #tpu.memory_space<vmem>>, vector<16xf32>,
      %sub3A_467 = arith.subf %get3A_462, %get3A_466 : vector<16xf32>
      %mul3A_468 = arith.mulf %sub3A_467, %sub3A_467 : vector<16xf32>
      %add3A_469 = arith.addf %add3A_458, %mul3A_468 : vector<16xf32>
      %add3A_470 = arith.constant 2176 : i32
      %add3A_471 = arith.addi %add3A_123, %add3A_470 : i32
      %get3A_472 = arith.index_cast %add3A_471 : i32 to index
      %get3A_473 = tpu.vector_load %arg5[%get3A_472] {strides = array<i32>} : memref<16384xf32, #tpu.memory_space<vmem>>, vector<16xf32>,
      %add3A_474 = arith.constant 2176 : i32
      %add3A_475 = arith.addi %add3A_123, %add3A_474 : i32
      %get3A_476 = arith.index_cast %add3A_475 : i32 to index
      %get3A_477 = tpu.vector_load %arg6[%get3A_476] {strides = array<i32>} : memref<16384xf32, #tpu.memory_space<vmem>>, vector<16xf32>,
      %sub3A_478 = arith.subf %get3A_473, %get3A_477 : vector<16xf32>
      %mul3A_479 = arith.mulf %sub3A_478, %sub3A_478 : vector<16xf32>
      %add3A_480 = arith.addf %add3A_469, %mul3A_479 : vector<16xf32>
      %add3A_481 = arith.constant 2304 : i32
      %add3A_482 = arith.addi %add3A_123, %add3A_481 : i32
      %get3A_483 = arith.index_cast %add3A_482 : i32 to index
      %get3A_484 = tpu.vector_load %arg5[%get3A_483] {strides = array<i32>} : memref<16384xf32, #tpu.memory_space<vmem>>, vector<16xf32>,
      %add3A_485 = arith.constant 2304 : i32
      %add3A_486 = arith.addi %add3A_123, %add3A_485 : i32
      %get3A_487 = arith.index_cast %add3A_486 : i32 to index
      %get3A_488 = tpu.vector_load %arg6[%get3A_487] {strides = array<i32>} : memref<16384xf32, #tpu.memory_space<vmem>>, vector<16xf32>,
      %sub3A_489 = arith.subf %get3A_484, %get3A_488 : vector<16xf32>
      %mul3A_490 = arith.mulf %sub3A_489, %sub3A_489 : vector<16xf32>
      %add3A_491 = arith.addf %add3A_480, %mul3A_490 : vector<16xf32>
      %add3A_492 = arith.constant 2432 : i32
      %add3A_493 = arith.addi %add3A_123, %add3A_492 : i32
      %get3A_494 = arith.index_cast %add3A_493 : i32 to index
      %get3A_495 = tpu.vector_load %arg5[%get3A_494] {strides = array<i32>} : memref<16384xf32, #tpu.memory_space<vmem>>, vector<16xf32>,
      %add3A_496 = arith.constant 2432 : i32
      %add3A_497 = arith.addi %add3A_123, %add3A_496 : i32
      %get3A_498 = arith.index_cast %add3A_497 : i32 to index
      %get3A_499 = tpu.vector_load %arg6[%get3A_498] {strides = array<i32>} : memref<16384xf32, #tpu.memory_space<vmem>>, vector<16xf32>,
      %sub3A_500 = arith.subf %get3A_495, %get3A_499 : vector<16xf32>
      %mul3A_501 = arith.mulf %sub3A_500, %sub3A_500 : vector<16xf32>
      %add3A_502 = arith.addf %add3A_491, %mul3A_501 : vector<16xf32>
      %add3A_503 = arith.constant 2560 : i32
      %add3A_504 = arith.addi %add3A_123, %add3A_503 : i32
      %get3A_505 = arith.index_cast %add3A_504 : i32 to index
      %get3A_506 = tpu.vector_load %arg5[%get3A_505] {strides = array<i32>} : memref<16384xf32, #tpu.memory_space<vmem>>, vector<16xf32>,
      %add3A_507 = arith.constant 2560 : i32
      %add3A_508 = arith.addi %add3A_123, %add3A_507 : i32
      %get3A_509 = arith.index_cast %add3A_508 : i32 to index
      %get3A_510 = tpu.vector_load %arg6[%get3A_509] {strides = array<i32>} : memref<16384xf32, #tpu.memory_space<vmem>>, vector<16xf32>,
      %sub3A_511 = arith.subf %get3A_506, %get3A_510 : vector<16xf32>
      %mul3A_512 = arith.mulf %sub3A_511, %sub3A_511 : vector<16xf32>
      %add3A_513 = arith.addf %add3A_502, %mul3A_512 : vector<16xf32>
      %add3A_514 = arith.constant 2688 : i32
      %add3A_515 = arith.addi %add3A_123, %add3A_514 : i32
      %get3A_516 = arith.index_cast %add3A_515 : i32 to index
      %get3A_517 = tpu.vector_load %arg5[%get3A_516] {strides = array<i32>} : memref<16384xf32, #tpu.memory_space<vmem>>, vector<16xf32>,
      %add3A_518 = arith.constant 2688 : i32
      %add3A_519 = arith.addi %add3A_123, %add3A_518 : i32
      %get3A_520 = arith.index_cast %add3A_519 : i32 to index
      %get3A_521 = tpu.vector_load %arg6[%get3A_520] {strides = array<i32>} : memref<16384xf32, #tpu.memory_space<vmem>>, vector<16xf32>,
      %sub3A_522 = arith.subf %get3A_517, %get3A_521 : vector<16xf32>
      %mul3A_523 = arith.mulf %sub3A_522, %sub3A_522 : vector<16xf32>
      %add3A_524 = arith.addf %add3A_513, %mul3A_523 : vector<16xf32>
      %add3A_525 = arith.constant 2816 : i32
      %add3A_526 = arith.addi %add3A_123, %add3A_525 : i32
      %get3A_527 = arith.index_cast %add3A_526 : i32 to index
      %get3A_528 = tpu.vector_load %arg5[%get3A_527] {strides = array<i32>} : memref<16384xf32, #tpu.memory_space<vmem>>, vector<16xf32>,
      %add3A_529 = arith.constant 2816 : i32
      %add3A_530 = arith.addi %add3A_123, %add3A_529 : i32
      %get3A_531 = arith.index_cast %add3A_530 : i32 to index
      %get3A_532 = tpu.vector_load %arg6[%get3A_531] {strides = array<i32>} : memref<16384xf32, #tpu.memory_space<vmem>>, vector<16xf32>,
      %sub3A_533 = arith.subf %get3A_528, %get3A_532 : vector<16xf32>
      %mul3A_534 = arith.mulf %sub3A_533, %sub3A_533 : vector<16xf32>
      %add3A_535 = arith.addf %add3A_524, %mul3A_534 : vector<16xf32>
      %add3A_536 = arith.constant 2944 : i32
      %add3A_537 = arith.addi %add3A_123, %add3A_536 : i32
      %get3A_538 = arith.index_cast %add3A_537 : i32 to index
      %get3A_539 = tpu.vector_load %arg5[%get3A_538] {strides = array<i32>} : memref<16384xf32, #tpu.memory_space<vmem>>, vector<16xf32>,
      %add3A_540 = arith.constant 2944 : i32
      %add3A_541 = arith.addi %add3A_123, %add3A_540 : i32
      %get3A_542 = arith.index_cast %add3A_541 : i32 to index
      %get3A_543 = tpu.vector_load %arg6[%get3A_542] {strides = array<i32>} : memref<16384xf32, #tpu.memory_space<vmem>>, vector<16xf32>,
      %sub3A_544 = arith.subf %get3A_539, %get3A_543 : vector<16xf32>
      %mul3A_545 = arith.mulf %sub3A_544, %sub3A_544 : vector<16xf32>
      %add3A_546 = arith.addf %add3A_535, %mul3A_545 : vector<16xf32>
      %add3A_547 = arith.constant 3072 : i32
      %add3A_548 = arith.addi %add3A_123, %add3A_547 : i32
      %get3A_549 = arith.index_cast %add3A_548 : i32 to index
      %get3A_550 = tpu.vector_load %arg5[%get3A_549] {strides = array<i32>} : memref<16384xf32, #tpu.memory_space<vmem>>, vector<16xf32>,
      %add3A_551 = arith.constant 3072 : i32
      %add3A_552 = arith.addi %add3A_123, %add3A_551 : i32
      %get3A_553 = arith.index_cast %add3A_552 : i32 to index
      %get3A_554 = tpu.vector_load %arg6[%get3A_553] {strides = array<i32>} : memref<16384xf32, #tpu.memory_space<vmem>>, vector<16xf32>,
      %sub3A_555 = arith.subf %get3A_550, %get3A_554 : vector<16xf32>
      %mul3A_556 = arith.mulf %sub3A_555, %sub3A_555 : vector<16xf32>
      %add3A_557 = arith.addf %add3A_546, %mul3A_556 : vector<16xf32>
      %add3A_558 = arith.constant 3200 : i32
      %add3A_559 = arith.addi %add3A_123, %add3A_558 : i32
      %get3A_560 = arith.index_cast %add3A_559 : i32 to index
      %get3A_561 = tpu.vector_load %arg5[%get3A_560] {strides = array<i32>} : memref<16384xf32, #tpu.memory_space<vmem>>, vector<16xf32>,
      %add3A_562 = arith.constant 3200 : i32
      %add3A_563 = arith.addi %add3A_123, %add3A_562 : i32
      %get3A_564 = arith.index_cast %add3A_563 : i32 to index
      %get3A_565 = tpu.vector_load %arg6[%get3A_564] {strides = array<i32>} : memref<16384xf32, #tpu.memory_space<vmem>>, vector<16xf32>,
      %sub3A_566 = arith.subf %get3A_561, %get3A_565 : vector<16xf32>
      %mul3A_567 = arith.mulf %sub3A_566, %sub3A_566 : vector<16xf32>
      %add3A_568 = arith.addf %add3A_557, %mul3A_567 : vector<16xf32>
      %add3A_569 = arith.constant 3328 : i32
      %add3A_570 = arith.addi %add3A_123, %add3A_569 : i32
      %get3A_571 = arith.index_cast %add3A_570 : i32 to index
      %get3A_572 = tpu.vector_load %arg5[%get3A_571] {strides = array<i32>} : memref<16384xf32, #tpu.memory_space<vmem>>, vector<16xf32>,
      %add3A_573 = arith.constant 3328 : i32
      %add3A_574 = arith.addi %add3A_123, %add3A_573 : i32
      %get3A_575 = arith.index_cast %add3A_574 : i32 to index
      %get3A_576 = tpu.vector_load %arg6[%get3A_575] {strides = array<i32>} : memref<16384xf32, #tpu.memory_space<vmem>>, vector<16xf32>,
      %sub3A_577 = arith.subf %get3A_572, %get3A_576 : vector<16xf32>
      %mul3A_578 = arith.mulf %sub3A_577, %sub3A_577 : vector<16xf32>
      %add3A_579 = arith.addf %add3A_568, %mul3A_578 : vector<16xf32>
      %add3A_580 = arith.constant 3456 : i32
      %add3A_581 = arith.addi %add3A_123, %add3A_580 : i32
      %get3A_582 = arith.index_cast %add3A_581 : i32 to index
      %get3A_583 = tpu.vector_load %arg5[%get3A_582] {strides = array<i32>} : memref<16384xf32, #tpu.memory_space<vmem>>, vector<16xf32>,
      %add3A_584 = arith.constant 3456 : i32
      %add3A_585 = arith.addi %add3A_123, %add3A_584 : i32
      %get3A_586 = arith.index_cast %add3A_585 : i32 to index
      %get3A_587 = tpu.vector_load %arg6[%get3A_586] {strides = array<i32>} : memref<16384xf32, #tpu.memory_space<vmem>>, vector<16xf32>,
      %sub3A_588 = arith.subf %get3A_583, %get3A_587 : vector<16xf32>
      %mul3A_589 = arith.mulf %sub3A_588, %sub3A_588 : vector<16xf32>
      %add3A_590 = arith.addf %add3A_579, %mul3A_589 : vector<16xf32>
      %add3A_591 = arith.constant 3584 : i32
      %add3A_592 = arith.addi %add3A_123, %add3A_591 : i32
      %get3A_593 = arith.index_cast %add3A_592 : i32 to index
      %get3A_594 = tpu.vector_load %arg5[%get3A_593] {strides = array<i32>} : memref<16384xf32, #tpu.memory_space<vmem>>, vector<16xf32>,
      %add3A_595 = arith.constant 3584 : i32
      %add3A_596 = arith.addi %add3A_123, %add3A_595 : i32
      %get3A_597 = arith.index_cast %add3A_596 : i32 to index
      %get3A_598 = tpu.vector_load %arg6[%get3A_597] {strides = array<i32>} : memref<16384xf32, #tpu.memory_space<vmem>>, vector<16xf32>,
      %sub3A_599 = arith.subf %get3A_594, %get3A_598 : vector<16xf32>
      %mul3A_600 = arith.mulf %sub3A_599, %sub3A_599 : vector<16xf32>
      %add3A_601 = arith.addf %add3A_590, %mul3A_600 : vector<16xf32>
      %add3A_602 = arith.constant 3712 : i32
      %add3A_603 = arith.addi %add3A_123, %add3A_602 : i32
      %get3A_604 = arith.index_cast %add3A_603 : i32 to index
      %get3A_605 = tpu.vector_load %arg5[%get3A_604] {strides = array<i32>} : memref<16384xf32, #tpu.memory_space<vmem>>, vector<16xf32>,
      %add3A_606 = arith.constant 3712 : i32
      %add3A_607 = arith.addi %add3A_123, %add3A_606 : i32
      %get3A_608 = arith.index_cast %add3A_607 : i32 to index
      %get3A_609 = tpu.vector_load %arg6[%get3A_608] {strides = array<i32>} : memref<16384xf32, #tpu.memory_space<vmem>>, vector<16xf32>,
      %sub3A_610 = arith.subf %get3A_605, %get3A_609 : vector<16xf32>
      %mul3A_611 = arith.mulf %sub3A_610, %sub3A_610 : vector<16xf32>
      %add3A_612 = arith.addf %add3A_601, %mul3A_611 : vector<16xf32>
      %gt3A_613 = arith.constant 0.000000e+00 : f32
      %gt3A_614 = vector.broadcast %gt3A_613 : f32 to vector<16xf32>
      %gt3A_615 = arith.cmpf ogt, %get3A_142, %gt3A_614 : vector<16xf32>
      %jit3A_616 = arith.constant 1.000000e+00 : f32
      %jit3A_617 = arith.constant 0.000000e+00 : f32
      %broadcast_in_dim3A_618 = vector.broadcast %jit3A_616 : f32 to vector<16xf32>
      %broadcast_in_dim3A_619 = vector.broadcast %jit3A_617 : f32 to vector<16xf32>
      %select_n3A_620 = arith.select %gt3A_615, %broadcast_in_dim3A_618, %broadcast_in_dim3A_619 : vector<16xi1>, vector<16xf32>
      %eq3A = arith.constant 0.000000e+00 : f32
      %eq3A_621 = vector.broadcast %eq3A : f32 to vector<16xf32>
      %eq3A_622 = arith.cmpf oeq, %get3A_142, %eq3A_621 : vector<16xf32>
      %jit3A_623 = arith.constant 1.000000e+00 : f32
      %jit3A_624 = arith.constant 0.000000e+00 : f32
      %broadcast_in_dim3A_625 = vector.broadcast %jit3A_623 : f32 to vector<16xf32>
      %broadcast_in_dim3A_626 = vector.broadcast %jit3A_624 : f32 to vector<16xf32>
      %select_n3A_627 = arith.select %eq3A_622, %broadcast_in_dim3A_625, %broadcast_in_dim3A_626 : vector<16xi1>, vector<16xf32>
      %add3A_628 = arith.addf %add3A_320, %sub3A_379 : vector<16xf32>
      %mul3A_629 = arith.constant 5.000000e+00 : f32
      %mul3A_630 = vector.broadcast %mul3A_629 : f32 to vector<16xf32>
      %mul3A_631 = arith.mulf %mul3A_630, %add3A_628 : vector<16xf32>
      %add3A_632 = arith.addf %mul3A_631, %mul3A_381 : vector<16xf32>
      %add3A_633 = arith.addf %add3A_632, %add3A_612 : vector<16xf32>
      %mul3A_634 = arith.mulf %select_n3A_620, %add3A_633 : vector<16xf32>
      %mul3A_635 = arith.constant 5.000000e-01 : f32
      %mul3A_636 = vector.broadcast %mul3A_635 : f32 to vector<16xf32>
      %mul3A_637 = arith.mulf %mul3A_636, %select_n3A_627 : vector<16xf32>
      %mul3A_638 = arith.mulf %mul3A_637, %add3A_390 : vector<16xf32>
      %add3A_639 = arith.addf %mul3A_634, %mul3A_638 : vector<16xf32>
      %add3A_640 = arith.addf %while3A_90, %add3A_639 : vector<16xf32>
      scf.yield %add3A_640 : vector<16xf32>
    }
    %swap3A = arith.constant 0 : index
    %swap3A_88 = tpu.vector_load %arg7[%swap3A] {strides = array<i32>} : memref<16xf32, #tpu.memory_space<vmem>>, vector<16xf32>,
    tpu.vector_store %arg7[%swap3A], %while3A_87 {strides = array<i32>} : memref<16xf32, #tpu.memory_space<vmem>>, vector<16xf32>,
    "tpu.region"() ({
      %run_scoped3A = tpu.sem_alloc : memref<!tpu.dma_semaphore, #tpu.memory_space<semaphore_mem>>
      %dma_start3A_89 = arith.constant 0 : i32
      %dma_start3A_90 = tpu.memref_slice %arg4[%arg1, %dma_start3A_89] : memref<16x16xf32, #tpu.memory_space<hbm>> -> memref<1x16xf32, #tpu.memory_space<hbm>>
      %dma_start3A_91 = tpu.memref_squeeze %dma_start3A_90 : memref<1x16xf32, #tpu.memory_space<hbm>> -> memref<16xf32, #tpu.memory_space<hbm>>
      %dma_start3A_92 = arith.constant 0 : i32
      %dma_start3A_93 = tpu.memref_slice %arg4[%arg1, %dma_start3A_92] : memref<16x16xf32, #tpu.memory_space<hbm>> -> memref<1x16xf32, #tpu.memory_space<hbm>>
      %dma_start3A_94 = tpu.memref_squeeze %dma_start3A_93 : memref<1x16xf32, #tpu.memory_space<hbm>> -> memref<16xf32, #tpu.memory_space<hbm>>
      tpu.enqueue_dma source(%arg7 : memref<16xf32, #tpu.memory_space<vmem>>) target(%dma_start3A_94 : memref<16xf32, #tpu.memory_space<hbm>>) target_semaphore(%run_scoped3A : memref<!tpu.dma_semaphore, #tpu.memory_space<semaphore_mem>>)
      %dma_wait3A_95 = arith.constant 0 : i32
      %dma_wait3A_96 = tpu.memref_slice %arg4[%arg1, %dma_wait3A_95] : memref<16x16xf32, #tpu.memory_space<hbm>> -> memref<1x16xf32, #tpu.memory_space<hbm>>
      %dma_wait3A_97 = tpu.memref_squeeze %dma_wait3A_96 : memref<1x16xf32, #tpu.memory_space<hbm>> -> memref<16xf32, #tpu.memory_space<hbm>>
      %dma_wait3A_98 = arith.constant 0 : i32
      %dma_wait3A_99 = tpu.memref_slice %arg4[%arg1, %dma_wait3A_98] : memref<16x16xf32, #tpu.memory_space<hbm>> -> memref<1x16xf32, #tpu.memory_space<hbm>>
      %dma_wait3A_100 = tpu.memref_squeeze %dma_wait3A_99 : memref<1x16xf32, #tpu.memory_space<hbm>> -> memref<16xf32, #tpu.memory_space<hbm>>
      tpu.wait_dma2 semaphore(%run_scoped3A : memref<!tpu.dma_semaphore, #tpu.memory_space<semaphore_mem>>) src(%arg7 : memref<16xf32, #tpu.memory_space<vmem>>) dst(%dma_wait3A_100 : memref<16xf32, #tpu.memory_space<hbm>>)
      tpu.yield
    }) : () -> ()
    return
  }
}

</mosaic_0001>

<sc_bundles>
// kernel: kernel.3.cloned.1.call-start
scs
__scs_entry_jumppad:
0x0: {  	(pc) =	sbr.rel $0x88, $3  }
0x1: {  	(tag) =	ssettag $0x0;
	lr =	simm.s32 $0x1  }
0x2: {  	[smem:$0x3F9F] =	sst lr;
	_ =	strace $0xD0000000  }
0x3: {  	_ = 	snop  }
0x4: {  	_ = 	snop  }
0x5: {  	_ = 	snop  }
0x6: {  	_ = 	snop  }
0x7: {  	_ = 	snop  }
__scs_overlays_trampoline_lowered:
0x8: {  	[smem:$0x3FAE] =	sst s0  }
0x9: {  	[smem:$0x3FAF] =	sst s1  }
0xa: {  	[smem:$0x3FB0] =	sst s2  }
0xb: {  	[smem:$0x3FB1] =	sst s3  }
0xc: {  	[smem:$0x3FB2] =	sst s4  }
0xd: {  	[smem:$0x3FB3] =	sst s5  }
0xe: {  	[smem:$0x3FB4] =	sst s6  }
0xf: {  	[smem:$0x3FB5] =	sst s7  }
0x10: {  	[smem:$0x3FB6] =	sst s8  }
0x11: {  	[smem:$0x3FB7] =	sst s9;
	s0 =	simm.s32 @!p0 $0x0  }
0x12: {  	s1 =	sld [smem:$0x3F9D];
	s0 =	simm.s32 @p0 $0x1  }
0x13: {  	[smem:$0x3FB8] =	sst s0;
	s0 =	simm.s32 @!p1 $0x0  }
0x14: {  	s2 =	sld [smem:$0x3F9C];
	s0 =	simm.s32 @p1 $0x1  }
0x15: {  	[smem:$0x3FB9] =	sst s0;
	s0 =	simm.s32 @!p2 $0x0  }
0x16: {  	s3 =	sld [smem:$0x3FDB];
	s0 =	simm.s32 @p2 $0x1  }
0x17: {  	s4 =	simm.s32 $0x1BF5;
	[smem:$0x3FBB] =	sst s0  }
0x18: {  	s0 =	sld [smem:$0x3F9E];
	_ =	swait.ge [sflag:s4], $0x0  }
0x19: {  	s7 =	sld [smem:$0x3F9F]  }
0x1a: {  	s8 =	sadd.s32 $0xFFFFE003, lr  }
0x1b: {  	s9 =	sadd.s32 $0xFFFFFEF7, lr;
	s5 =	simm.s32 $0xFFFFFFFF;
	p2 =	slt.u32 s8, $0xFFFFF086  }
0x1c: {  	p1 =	slt.u32 s9, $0xF7A;
	s5 =	simm.s32 @!p2 $0x0  }
0x1d: {  	s5 =	simm.s32 @p1 $0x1;
	p0 =	seq.s32 s7, s2  }
0x1e: {  	s7 =	smul.u32 @!p0 $0xF7A, s2;
	p2 =	seq.s32 @!p0 s5, $0x0  }
0x1f: {  	s9 =	smul.u32 $0xF7A, s1;
	s8 =	simm.s32 @!p0 $0x1BF5;
	p2 =	por !p2, p0  }
0x20: {  	[sflag:s8] =	ssyncset.s32 @!p0 $0xFFFFF086;
	s6 =	sadd.s32 @!p0 s3, s7;
	s7 =	simm.s32 @!p0 $0x108  }
0x21: {  	s3 =	sadd.s32 s3, s9;
	s6 =	sadd.s32 @!p0 $0x88, s6;
	s7 =	simm.s32 @p2 $0x1082  }
0x22: {  	[simem:s7], [sflag:s8] =	dma.local @!p0 [hbm:s6], $0xF7A  }
0x23: {  	s9 =	sor.u32 $0xD0000000, s2;
	s6 =	simm.s32 $0x108;
	_ =	swait.ge @!p0 [sflag:s8], $0x0  }
0x24: {  	s3 =	sadd.s32 $0x88, s3;
	s6 =	simm.s32 @!p1 $0x1082;
	[sflag:s4] =	ssyncset.s32 $0xFFFFF086  }
0x25: {  	[simem:s6], [sflag:s4] =	dma.local [hbm:s3], $0xF7A  }
0x26: {  	[smem:$0x3F9F] =	sst s1;
	(tag) =	ssettag s2;
	_ =	strace s9  }
0x27: {  	s1 =	sld [smem:$0x3FAF]  }
0x28: {  	s2 =	sld [smem:$0x3FB0]  }
0x29: {  	s4 =	sld [smem:$0x3FB2]  }
0x2a: {  	p0 =	seq.s32 s5, $0x0;
	s5 =	sld [smem:$0x3FB3]  }
0x2b: {  	s6 =	sld [smem:$0x3FB4]  }
0x2c: {  	s7 =	sld [smem:$0x3FB5]  }
0x2d: {  	s3 =	simm.s32 $0x108;
	s8 =	sld [smem:$0x3FB6]  }
0x2e: {  	s3 =	simm.s32 @!p0 $0x1082;
	s9 =	sld [smem:$0x3FB7]  }
0x2f: {  	lr =	sadd.s32 s0, s3;
	s0 =	sld [smem:$0x3FAE]  }
0x30: {  	s3 =	sld [smem:$0x3FB1]  }
0x31: {  	[smem:$0x3FBA] =	sst s10  }
0x32: {  	s10 =	sld [smem:$0x3FB8];
	_ =	sdelay $0x3  }
0x33: {  	p0 =	seq.s32 s10, $0x1;
	s10 =	sld [smem:$0x3FBA];
	_ =	sdelay $0x3  }
0x34: {  	[smem:$0x3FBA] =	sst s10  }
0x35: {  	s10 =	sld [smem:$0x3FB9];
	_ =	sdelay $0x3  }
0x36: {  	p1 =	seq.s32 s10, $0x1;
	s10 =	sld [smem:$0x3FBA];
	_ =	sdelay $0x3  }
0x37: {  	[smem:$0x3FBA] =	sst s10  }
0x38: {  	s10 =	sld [smem:$0x3FBB]  }
0x39: {  	_ = 	snop;
	(pc) =	sbr.ind lr, $3  }
0x3a: {  	_ = 	snop  }
0x3b: {  	_ = 	snop  }
0x3c: {  	p2 =	seq.s32 s10, $0x1;
	s10 =	sld [smem:$0x3FBA]  }
0x3d: {  	_ =	shalt  }
0x3e: {  	_ =	shalt  }
0x3f: {  	_ =	shalt  }
0x40: {  	_ =	shalt  }
0x41: {  	_ =	shalt  }
0x42: {  	_ =	shalt  }
0x43: {  	_ =	shalt  }
0x44: {  	_ =	shalt  }
0x45: {  	_ =	shalt  }
0x46: {  	_ =	shalt  }
0x47: {  	_ =	shalt  }
0x48: {  	_ =	shalt  }
0x49: {  	_ =	shalt  }
0x4a: {  	_ =	shalt  }
0x4b: {  	_ =	shalt  }
0x4c: {  	_ =	shalt  }
0x4d: {  	_ =	shalt  }
0x4e: {  	_ =	shalt  }
0x4f: {  	_ =	shalt  }
0x50: {  	_ =	shalt  }
0x51: {  	_ =	shalt  }
0x52: {  	_ =	shalt  }
0x53: {  	_ =	shalt  }
0x54: {  	_ =	shalt  }
0x55: {  	_ =	shalt  }
0x56: {  	_ =	shalt  }
0x57: {  	_ =	shalt  }
0x58: {  	_ =	shalt  }
0x59: {  	_ =	shalt  }
0x5a: {  	_ =	shalt  }
0x5b: {  	_ =	shalt  }
0x5c: {  	_ =	shalt  }
0x5d: {  	_ =	shalt  }
0x5e: {  	_ =	shalt  }
0x5f: {  	_ =	shalt  }
0x60: {  	_ =	shalt  }
0x61: {  	_ =	shalt  }
0x62: {  	_ =	shalt  }
0x63: {  	_ =	shalt  }
0x64: {  	_ =	shalt  }
0x65: {  	_ =	shalt  }
0x66: {  	_ =	shalt  }
0x67: {  	_ =	shalt  }
0x68: {  	_ =	shalt  }
0x69: {  	_ =	shalt  }
0x6a: {  	_ =	shalt  }
0x6b: {  	_ =	shalt  }
0x6c: {  	_ =	shalt  }
0x6d: {  	_ =	shalt  }
0x6e: {  	_ =	shalt  }
0x6f: {  	_ =	shalt  }
0x70: {  	_ =	shalt  }
0x71: {  	_ =	shalt  }
0x72: {  	_ =	shalt  }
0x73: {  	_ =	shalt  }
0x74: {  	_ =	shalt  }
0x75: {  	_ =	shalt  }
0x76: {  	_ =	shalt  }
0x77: {  	_ =	shalt  }
0x78: {  	_ =	shalt  }
0x79: {  	_ =	shalt  }
0x7a: {  	_ =	shalt  }
0x7b: {  	_ =	shalt  }
0x7c: {  	_ =	shalt  }
0x7d: {  	_ =	shalt  }
0x7e: {  	_ =	shalt  }
0x7f: {  	_ =	shalt  }
0x80: {  	_ =	shalt  }
0x81: {  	_ =	shalt  }
0x82: {  	_ =	shalt  }
0x83: {  	_ =	shalt  }
0x84: {  	_ =	shalt  }
0x85: {  	_ =	shalt  }
0x86: {  	_ =	shalt  }
0x87: {  	_ =	shalt  }
.Lfunc_end0:
.L_simem_size_0:
called_computation_lowered:
.L_overlay_start_0:
0x88: {  	s0 =	sld [smem:$0x3FD9]  }
0x89: {  	s1 =	sld [smem:$0x3FFE];
	_ =	sdelay $0x3  }
0x8a: {  	s0 =	sadd.s32 s1, s0  }
0x8b: {  	[smem:$0x3FC6] =	sst s0  }
0x8c: {  	_ = 	snop  }
0x8d: {  	(tm) =	ssettm $0x1  }
0x8e: {  	s15 =	sld [smem:$0x3FFB];
	_ =	sdelay $0x3  }
0x8f: {  	_ =	strace s15  }
0x90: {  	s0 =	sld [smem:$0x3FFC];
	_ =	sdelay $0x3  }
0x91: {  	_ =	strace s0  }
0x92: {  	s0 =	sld [smem:$0x3FFD];
	_ =	sdelay $0x3  }
0x93: {  	_ =	strace s0  }
0x94: {  	_ =	strace $0x8FFFFFFF  }
0x95: {  	s16 =	sld [smem:$0x3FDB];
	_ =	sdelay $0x1  }
0x96: {  	s17 =	simm.s32 $_scs_section_size  }
0x97: {  	s2 =	simm.s32 $_size__tile_overlayer_lowered;
	s3 =	simm.s32 $_tile_overlayer_lowered  }
0x98: {  	s20 =	simm.s32 $0x1BFF;
	s19 =	sshll.u32 s3, $0x1;
	s0 =	sadd.s32 s17, s16  }
0x99: {  	s4 =	simm.s32 $0x0;
	s18 =	sshll.u32 s2, $0x1;
	s2 =	sadd.s32 s19, s0  }
0x9a: {  	[timem:s4], [sflag:s20] =	dma.local [hbm:s2], s18  }
0x9b: {  	_ =	swait.ge [sflag:s20], s18  }
0x9c: {  	s1 =	ssub.s32 $0x0, s18;
	[sflag:s20] =	ssyncset.done $0x0  }
0x9d: {  	[sflag:s20] =	ssyncadd.s32 s1;
	_ =	sdelay $0x1  }
0x9e: {  	s21 =	simm.s32 $0x1B8B  }
0x9f: {  	_ =	swait.ge [sflag:s21], $0x1  }
0xa0: {  	[sflag:s21] =	ssyncset.done $0x0  }
0xa1: {  	s23 =	simm.s32 $0x1B8E;
	s22 =	sld [smem:$0x3FFE];
	[sflag:s21] =	ssyncadd.s32 $0xFFFFFFFF  }
0xa2: {  	s24 =	simm.s32 $execute0_lowered;
	[smem:$0x3FD2] =	sst s23  }
0xa3: {  	s2 =	sshll.u32 s24, $0x1;
	_ =	strace $0x80000046;
	[dreg:$0x1] =	wrdreg $0xFFFFFFFF  }
0xa4: {  	s25 =	simm.s32 $_size_execute0_lowered;
	s0 =	sadd.s32 s0, s2;
	[dreg:$0x0] =	wrdreg $0x0  }
0xa5: {  	s2 =	sshll.u32 s25, $0x1;
	[dreg:$0x2] =	wrdreg s0  }
0xa6: {  	[dreg:$0x3] =	wrdreg s2  }
0xa7: {  	[dreg:$0x4] =	wrdreg $0xC0  }
0xa8: {  	_ =	task [dreg:s4], $0x5FFFF  }
0xa9: {  	[dreg:$0x1] =	wrdreg $0xFFFFFFFF  }
0xaa: {  	[dreg:$0x0] =	wrdreg $0x60  }
0xab: {  	[dreg:$0x2] =	wrdreg s22  }
0xac: {  	[dreg:$0x3] =	wrdreg $0x9  }
0xad: {  	_ =	task.clear_ibuf [dreg:s4], $0x4FFFF;
	_ =	strace $0x90000046  }
0xae: {  	s26 =	simm.s32 $0x9;
	_ =	strace $0x80000048  }
0xaf: {  	_ =	swait.ge [sflag:s26], $0x1  }
0xb0: {  	[sflag:s26] =	ssyncadd.s32 $0xFFFFFFFF  }
0xb1: {  	_ =	strace $0x90000048  }
0xb2: {  	_ =	sfence  }
0xb3: {  	s28 =	sld [smem:$0x0];
	_ =	sdelay $0x1  }
0xb4: {  	s29 =	srdreg.scid  }
0xb5: {  	s30 =	sshll.u32 s29, $0xD;
	s31 =	sshrl.u32 s29, $0x2  }
0xb6: {  	s1 =	sand.u32 $0x1, s29;
	s2 =	sand.u32 $0x4000, s30;
	s0 =	sadd.s32 s31, s28  }
0xb7: {  	s1 =	sor.u32 s2, s1;
	s0 =	sshll.u32 s0, $0x11  }
0xb8: {  	s0 =	sor.u32 s0, s1  }
0xb9: {  	s0 =	sadd.s32 $0x8F2B, s0  }
0xba: {  	[sflag:s0] =	ssyncadd.remote.s32 $0x1  }
0xbb: {  	_ =	sfence.sel $0xFFFF  }
0xbc: {  	[dreg:$0x0] =	wrdreg $0xFFFFFFFF;
	(pc) =	sbr.abs _section_cstart, $3  }
0xbd: {  	[dreg:$0x1] =	wrdreg $0xFFFFFFFF  }
0xbe: {  	_ =	task.clear_ibuf [dreg:s4], $0x2FFFF;
	_ =	strace $0x9FFFFFFF  }
0xbf: {  	(tm) =	ssettm $0x7FFFFFFF  }
tec
execute0_lowered:
.L_overlay_start_1:
0x0: {  	(tag) =	ssettag $0x1  }
0x1: {  	s0 =	stileid.u32  }
0x2: {  	s3 =	smul.u32 $0x188, s0;
	_ =	sdelay $0x1  }
0x3: {  	s5 =	sshrl.u32 s3, $0x4;
	s1 =	sand.u32 $0x70, s3  }
0x4: {  	p0 =	seq.s32 s5, $0x0;
	p1 =	sne.s32 s1, $0x0  }
0x5: {  	p0 =	por !p0, !p1  }
0x6: {  	s1 =	simm.s32 $0x1;
	p0 =	por !p0, !p0  }
0x7: {  	s2 =	sshrl.u32 s3, $0x7;
	s1 =	simm.s32 @!p0 $0x0  }
0x8: {  	s7 =	ssub.s32 s2, s1  }
0x9: {  	s4 =	sshll.u32 s7, $0x9  }
0xa: {  	s6 =	rddreg [dreg:$0x0];
	s2 =	simm.s32 $0x0;
	s4 =	sand.u32 $0x1FFFFE00, s4  }
0xb: {  	[smem:$0x7FF] =	sst s2;
	s4 =	sadd.s32 s4, s6  }
0xc: {  	s1 =	rddreg [dreg:$0x1];
	_ =	strace $0x80000047;
	s8 =	sadd.s32 $0x200, s4  }
0xd: {  	[tilespmem:s2], [sflag:$0x1] =	stream.linear.gather [hbm4b:s8+s2], $0x4000, $0x38;
	[tilespmem:$0x8080] =	vst v63  }
0xe: {  	s9 =	simm.s32 $0x4000;
	s3 =	sadd.s32 $0x188, s3;
	s4 =	sadd.s32 $0x6400, s4  }
0xf: {  	[tilespmem:s9], [sflag:$0x2] =	stream.linear.gather [hbm4b:s4+s2], $0x4000, $0x38;
	[tilespmem:$0x8080] =	vst v63  }
0x10: {  	s28 =	simm.s32 $0x1;
	s4 =	sshrl.u32 s3, $0x4  }
0x11: {  	_ =	swait.ge [sflag:s28], $0x4000;
	p0 =	sge.u32 s5, s4  }
.Ltmp0:
0x12: {  	[sflag:s28] =	ssyncset.done $0x0;
	(pc) =	sbr.rel @p0 .LBB2_8-.Ltmp0, $4  }
0x13: {  	s29 =	simm.s32 $0x2;
	[sflag:s28] =	ssyncadd.s32 $0xFFFFC000  }
0x14: {  	s30 =	sshll.u32 s0, $0x4;
	_ =	swait.ge [sflag:s29], $0x4000  }
0x15: {  	s31 =	sadd.s32 s30, s6;
	[sflag:s29] =	ssyncset.done $0x0  }
0x16: {  	v0 =	vimm.f32 $0.0e+00;
	s3 =	sadd.s32 $0xC600, s31;
	[sflag:s29] =	ssyncadd.s32 $0xFFFFC000  }
0x17: {  	s8 =	sshrl.u32 s5, $0x3  }
0x18: {  	s6 =	sshll.u32 s5, $0x4;
	s7 =	sshll.u32 s7, $0xC;
	s8 =	smul.u32 $0xF80, s8  }
0x19: {  	s7 =	ssub.s32 s6, s7  }
0x1a: {  	s8 =	sadd.s32 s8, s7  }
0x1b: {  	s9 =	sand.u32 $0x70, s6;
	s8 =	sand.u32 $0xFFFFFF80, s8  }
0x1c: {  	s9 =	sor.u32 s9, s8  }
0x1d: {  	v4 =	vld [tilespmem:s9+$0x180]  }
0x1e: {  	v6 =	vld [tilespmem:s9+$0x0]  }
0x1f: {  	v7 =	vld [tilespmem:s9+$0x400]  }
0x20: {  	v8 =	vld [tilespmem:s9+$0x380]  }
0x21: {  	v2 =	vld [tilespmem:s9+$0x80]  }
0x22: {  	v9 =	vld [tilespmem:s9+$0x280]  }
0x23: {  	v10 =	vld [tilespmem:s9+$0x100]  }
0x24: {  	v3 =	vld [tilespmem:s9+$0x300]  }
0x25: {  	v14 =	vld [tilespmem:s9+$0x4180]  }
0x26: {  	v11 =	vld [tilespmem:s9+$0x4100]  }
0x27: {  	v1 =	vld [tilespmem:s9+$0x4080]  }
0x28: {  	v18 =	vld [tilespmem:s9+$0x4000]  }
0x29: {  	v0 =	vld [tilespmem:s9+$0x500]  }
0x2a: {  	v5 =	vld [tilespmem:s9+$0x4500]  }
0x2b: {  	v15 =	vld [tilespmem:s9+$0x4580];
	v12 =	vmul.f32 $5.000000000e-01, v8;
	v13 =	vmul.f32 $1.428571490e-01, v6  }
0x2c: {  	v19 =	vld [tilespmem:s9+$0x600];
	v16 =	vmul.f32 $1.428571490e-01, v2;
	v17 =	vmul.f32 $5.000000000e-01, v4  }
0x2d: {  	v22 =	vld [tilespmem:s9+$0x4600];
	v20 =	vmul.f32 $1.428571490e-01, v9;
	v21 =	vmul.f32 $5.000000000e-01, v10  }
0x2e: {  	v24 =	vld [tilespmem:s9+$0x680];
	v25 =	vmul.f32 $5.000000000e-01, v7;
	v29 =	vmul.f32 $5.000000000e-01, v11  }
0x2f: {  	v28 =	vld [tilespmem:s9+$0x4680];
	v31 =	vmul.f32 $5.000000000e-01, v14;
	v0 =	vsub.f32 v0, v5;
	v23 =	vsub.f32 v16, v17  }
0x30: {  	v30 =	vld [tilespmem:s9+$0x700];
	v33 =	vmul.f32 $1.428571490e-01, v18;
	v26 =	vadd.f32 v12, v20;
	v27 =	vsub.f32 v13, v21  }
0x31: {  	v32 =	vld [tilespmem:s9+$0x4700];
	v16 =	vadd.f32 v17, v16;
	v17 =	vmul.f32 $1.428571490e-01, v3;
	v13 =	vadd.f32 v21, v13  }
0x32: {  	v34 =	vld [tilespmem:s9+$0x780];
	v21 =	vmul.f32 $1.428571490e-01, v1;
	v12 =	vsub.f32 v20, v12;
	v39 =	vadd.f32 v29, v33  }
0x33: {  	v37 =	vld [tilespmem:s9+$0x800];
	v29 =	vsub.f32 v33, v29;
	v20 =	vsub.f32 v17, v25  }
0x34: {  	v40 =	vld [tilespmem:s9+$0x580];
	v35 =	vsub.f32 v16, v23;
	v36 =	vsub.f32 v21, v31  }
0x35: {  	v41 =	vld [tilespmem:s9+$0x4880];
	v38 =	vsub.f32 v26, v12;
	v21 =	vadd.f32 v31, v21  }
0x36: {  	v55 =	vld [tilespmem:s9+$0x4400];
	v53 =	vsub.f32 v13, v27;
	v17 =	vadd.f32 v25, v17  }
0x37: {  	v56 =	vld [tilespmem:s9+$0x980];
	v12 =	vmax.f32 v12, v29;
	v13 =	vmin.f32 v13, v39;
	v26 =	vmin.f32 v26, v39  }
0x38: {  	v58 =	vld [tilespmem:s9+$0x4980];
	v12 =	vsub.f32 v26, v12;
	v23 =	vmax.f32 v23, v36;
	v16 =	vmin.f32 v16, v21  }
0x39: {  	v59 =	vld [tilespmem:s9+$0x4A80];
	v54 =	vmax.f32 v20, v36;
	v36 =	vsub.f32 v21, v36;
	v20 =	vsub.f32 v17, v20  }
0x3a: {  	v60 =	vld [tilespmem:s9+$0x4280];
	v17 =	vmin.f32 v17, v21;
	v16 =	vsub.f32 v16, v23;
	v23 =	vmax.f32 v27, v29  }
0x3b: {  	v44 =	vld [tilespmem:s9+$0x4480];
	v26 =	vmul.f32 v35, v53;
	v29 =	vsub.f32 v39, v29;
	v13 =	vsub.f32 v13, v23  }
0x3c: {  	v45 =	vld [tilespmem:s9+$0x480];
	v17 =	vsub.f32 v17, v54;
	v12 =	vmax.f32 v12, $0.0e+00;
	v20 =	vmul.f32 v20, v38  }
0x3d: {  	v63 =	vld [tilespmem:s9+$0x200];
	v16 =	vmax.f32 v16, $0.0e+00;
	v29 =	vmul.f32 v36, v29;
	v13 =	vmax.f32 v13, $0.0e+00  }
0x3e: {  	v25 =	vld [tilespmem:s9+$0x880];
	v57 =	vmul.f32 v16, v13;
	v13 =	vsub.f32 v40, v15;
	v15 =	vmax.f32 v17, $0.0e+00  }
0x3f: {  	v27 =	vld [tilespmem:s9+$0x900];
	v16 =	vadd.f32 v26, v29;
	v17 =	vadd.f32 v20, v29;
	v20 =	vmul.f32 v15, v12  }
0x40: {  	v19 =	vsub.f32 v19, v22;
	v0 =	vmul.f32 v0, v0;
	v23 =	vld [tilespmem:s9+$0x4900];
	v13 =	vmul.f32 v13, v13  }
0x41: {  	v31 =	vld [tilespmem:s9+$0x4800];
	v22 =	vsub.f32 v16, v57;
	v17 =	vsub.f32 v17, v20  }
0x42: {  	v21 =	vld [tilespmem:s9+$0x4380];
	v16 =	vsub.f32 v24, v28;
	v0 =	vadd.f32 v13, v0;
	v13 =	vmul.f32 v19, v19  }
0x43: {  	v5 =	vld [tilespmem:s9+$0x4300];
	v19 =	vmul.f32 v20, v22;
	v24 =	vmul.f32 v17, v57  }
0x44: {  	v35 =	vld [tilespmem:s9+$0xD80];
	v41 =	vsub.f32 v25, v41;
	v16 =	vmul.f32 v16, v16;
	v13 =	vadd.f32 v13, v0  }
0x45: {  	v36 =	vsub.f32 v56, v58;
	v29 =	vld [tilespmem:s9+$0x4780];
	vm0 =	vgt.f32 v19, v24;
	v19 =	vsub.f32 v27, v23  }
0x46: {  	v38 =	vld [tilespmem:s9+$0xE80];
	v23 =	vsub.f32 v37, v31;
	v42 =	vadd.f32 v16, v13  }
0x47: {  	v25 =	vld [tilespmem:s9+$0xB00];
	v13 =	vsel vm0, v8, v10;
	v16 =	vsel vm0, v21, v11;
	v10 =	vsel vm0, v17, v22  }
0x48: {  	v28 =	vld [tilespmem:s9+$0xA80];
	v6 =	vsel vm0, v9, v6;
	v4 =	vsel vm0, v7, v4;
	v11 =	vmul.f32 v16, v13  }
0x49: {  	v26 =	vld [tilespmem:s9+$0x4B80];
	v14 =	vsel vm0, v55, v14;
	v7 =	vsub.f32 v30, v32;
	(erf) = vrcp.f32 v10  }
0x4a: {  	v8 =	vld [tilespmem:s9+$0x4B00];
	v10 =	vsub.f32 v34, v29;
	v9 =	vshra.s32 v11, $0x1;
	v43 =	vmul.f32 $5.000000000e-01, v11  }
0x4b: {  	v12 =	vld [tilespmem:s9+$0xA00];
	v61 =	vsel vm0, v20, v57;
	v17 =	vmul.f32 v14, v4;
	v62 =	vsub.s32 $0x5F3759DF, v9  }
0x4c: {  	v15 =	vld [tilespmem:s9+$0x4A00];
	v9 =	vsel vm0, v60, v18;
	v18 =	vmul.f32 v10, v10;
	v10 =	vmul.f32 v62, v43  }
0x4d: {  	v24 =	vld [tilespmem:s9+$0xB80];
	v32 =	vsub.f32 v28, v59;
	v33 =	vsel vm0, v45, v63;
	v7 =	vmul.f32 v7, v7  }
0x4e: {  	s8 =	sadd.s32 $0x1, s5;
	v27 =	vld [tilespmem:s9+$0x4C00];
	v30 =	vsub.f32 v6, v9;
	v6 =	vshra.s32 v17, $0x1;
	v31 =	vmul.f32 v62, v10  }
0x4f: {  	p1 =	sne.s32 s4, s8;
	v20 =	vld [tilespmem:s9+$0x4200];
	v9 =	vmul.f32 $5.000000000e-01, v17;
	v29 =	vsub.f32 v25, v8;
	v25 =	vsel vm0, v3, v2  }
.Ltmp1:
0x50: {  	v22 =	vld [tilespmem:s9+$0xC00];
	v10 =	vsub.s32 $0x5F3759DF, v6;
	v6 =	vadd.f32 v7, v42;
	v8 =	vsub.f32 $1.500000000e+00, v31;
	(pc) =	sbr.rel @!p1 .LBB2_2-.Ltmp1, $4  }
0x51: {  	v28 =	vld [tilespmem:s9+$0xC80];
	v2 =	vsub.f32 v45, v44;
	v45 =	vmul.f32 v41, v41;
	v7 =	vmul.f32 v10, v9  }
0x52: {  	v21 =	vld [tilespmem:s9+$0xD00];
	v6 =	vadd.f32 v18, v6;
	v18 =	vmul.f32 v23, v23;
	v3 =	vpop (erf);
	v40 =	vmul.f32 v62, v8  }
0x53: {  	v0 =	vimm.f32 $0.0e+00;
	v34 =	vld [tilespmem:s9+$0xE00];
	v37 =	vmul.f32 v10, v7;
	v31 =	vmul.f32 v3, v61  }
0x54: {  	p0 =	por $0x0, $0x0;
	v23 =	vld [tilespmem:s9+$0x4D00];
	v3 =	vsub.f32 v63, v20;
	v44 =	vadd.f32 v18, v6;
	v43 =	vmul.f32 v40, v43  }
0x55: {  	s5 =	sshrl.u32 s8, $0x3  }
0x56: {  	s10 =	smul.u32 $0xF80, s5  }
0x57: {  	v7 =	vmul.f32 v19, v19;
	v18 =	vld [tilespmem:s9+$0x4E80];
	v6 =	vadd.f32 v45, v44;
	s5 =	sadd.s32 $0x10, s7  }
0x58: {  	v8 =	vsub.f32 v12, v15;
	v12 =	vld [tilespmem:s9+$0x4C80];
	s6 =	sadd.s32 $0x10, s6;
	s7 =	sadd.s32 s10, s5  }
0x59: {  	v48 =	vld [tilespmem:s9+$0x4E00];
	s31 =	sand.u32 $0x70, s6;
	v6 =	vadd.f32 v7, v6;
	v7 =	vmul.f32 v36, v36;
	s7 =	sand.u32 $0xFFFFFF80, s7  }
0x5a: {  	v19 =	vsub.f32 v24, v26;
	v16 =	vadd.f32 v16, v13;
	v26 =	vld [tilespmem:s9+$0x4D80];
	v15 =	vmul.f32 v43, v40;
	s7 =	sor.u32 s31, s7  }
0x5b: {  	v27 =	vsub.f32 v22, v27;
	v6 =	vadd.f32 v7, v6;
	v7 =	vld [tilespmem:s7+$0x180]  }
0x5c: {  	vm1 =	veq.f32 v20, $0.0e+00;
	v2 =	vmul.f32 v2, v2;
	v15 =	vsub.f32 $1.500000000e+00, v15;
	v22 =	vld [tilespmem:s7+$0x0]  }
0x5d: {  	v1 =	vsel vm0, v5, v1;
	v3 =	vmul.f32 v3, v3;
	v13 =	vmul.f32 v8, v8;
	v24 =	vld [tilespmem:s7+$0x400]  }
0x5e: {  	v8 =	vmul.f32 v30, v30;
	v49 =	vmul.f32 v15, v40;
	v15 =	vsub.f32 v25, v1;
	v25 =	vld [tilespmem:s7+$0x80]  }
0x5f: {  	v5 =	vsub.f32 v38, v18;
	v18 =	vmul.f32 v29, v29;
	v29 =	vsub.f32 v35, v26;
	v26 =	vld [tilespmem:s7+$0x280]  }
0x60: {  	v30 =	vmul.f32 v32, v32;
	v12 =	vsub.f32 v28, v12;
	v28 =	vld [tilespmem:s7+$0x300];
	v6 =	vadd.f32 v13, v6  }
0x61: {  	vm0 =	vgt.f32 v20, $0.0e+00;
	v3 =	vadd.f32 v2, v3;
	v23 =	vsub.f32 v21, v23;
	v32 =	vld [tilespmem:s7+$0x4100]  }
0x62: {  	v21 =	vld [tilespmem:s7+$0x4000];
	v11 =	vmul.f32 v49, v11;
	v12 =	vmul.f32 v12, v12;
	v1 =	vadd.f32 v30, v6  }
0x63: {  	v39 =	vld [tilespmem:s7+$0x500];
	v6 =	vsub.f32 v33, v31;
	v31 =	vsub.f32 v34, v48;
	v34 =	vmul.f32 v5, v5  }
0x64: {  	v60 =	vld [tilespmem:s7+$0x4600];
	v1 =	vadd.f32 v18, v1;
	v18 =	vmul.f32 v19, v19;
	v50 =	vmul.f32 $1.428571490e-01, v22  }
0x65: {  	v11 =	vadd.f32 v11, v11;
	v30 =	vld [tilespmem:s7+$0x100];
	v51 =	vmul.f32 $1.428571490e-01, v25;
	v52 =	vmul.f32 $5.000000000e-01, v7  }
0x66: {  	v33 =	vld [tilespmem:s7+$0x4500];
	v19 =	vsub.f32 $1.500000000e+00, v37;
	v53 =	vmul.f32 $1.428571490e-01, v26;
	v54 =	vmul.f32 $5.000000000e-01, v24  }
0x67: {  	v5 =	vld [tilespmem:s7+$0x600];
	v11 =	vsub.f32 v16, v11;
	v55 =	vmul.f32 $1.428571490e-01, v28;
	v41 =	vmul.f32 $5.000000000e-01, v32  }
0x68: {  	v13 =	vld [tilespmem:s7+$0x380];
	v59 =	vmul.f32 $1.428571490e-01, v21;
	v31 =	vmul.f32 v31, v31;
	v1 =	vadd.f32 v18, v1  }
0x69: {  	v6 =	vmul.f32 v6, v6;
	v20 =	vadd.f32 v11, v4;
	v35 =	vadd.f32 v52, v51  }
0x6a: {  	v58 =	vsub.f32 v55, v54;
	v10 =	vmul.f32 v10, v19;
	v19 =	vadd.f32 v41, v59  }
0x6b: {  	v18 =	vmul.f32 v27, v27;
	v41 =	vsub.f32 v59, v41;
	v37 =	vadd.f32 v54, v55  }
0x6c: {  	v27 =	vld [tilespmem:s7+$0x4180];
	v4 =	vmul.f32 $5.000000000e-01, v30;
	v33 =	vsub.f32 v39, v33;
	v5 =	vsub.f32 v5, v60  }
0x6d: {  	v57 =	vld [tilespmem:s7+$0x4580];
	v16 =	vmul.f32 $5.000000000e-01, v13;
	v18 =	vadd.f32 v18, v1;
	v62 =	vsub.f32 v37, v58  }
0x6e: {  	v45 =	vld [tilespmem:s7+$0x700];
	v9 =	vmul.f32 v10, v9;
	v14 =	vadd.f32 v20, v14;
	v38 =	vsub.f32 v50, v4  }
0x6f: {  	v48 =	vld [tilespmem:s7+$0x680];
	v4 =	vadd.f32 v4, v50;
	v33 =	vmul.f32 v33, v33;
	v11 =	vadd.f32 v12, v18  }
0x70: {  	v1 =	vld [tilespmem:s7+$0x4080];
	v12 =	vmul.f32 v23, v23;
	v18 =	vsub.f32 v51, v52;
	v23 =	vadd.f32 v16, v53  }
0x71: {  	v50 =	vld [tilespmem:s7+$0x4680];
	v16 =	vsub.f32 v53, v16;
	v9 =	vmul.f32 v9, v10;
	v42 =	vmul.f32 $5.000000000e-01, v27  }
0x72: {  	v63 =	vld [tilespmem:s7+$0x580];
	v49 =	vsub.f32 v4, v38;
	v4 =	vmin.f32 v4, v19;
	v46 =	vsub.f32 v35, v18  }
0x73: {  	v54 =	vld [tilespmem:s7+$0x4900];
	v38 =	vmax.f32 v38, v41;
	v11 =	vadd.f32 v12, v11;
	v47 =	vsub.f32 v23, v16  }
0x74: {  	v55 =	vld [tilespmem:s7+$0x4380];
	v16 =	vmax.f32 v16, v41;
	v23 =	vmin.f32 v23, v19;
	v19 =	vsub.f32 v19, v41  }
0x75: {  	v51 =	vld [tilespmem:s7+$0x4700];
	v4 =	vsub.f32 v4, v38;
	v9 =	vsub.f32 $1.500000000e+00, v9;
	v56 =	vmul.f32 $1.428571490e-01, v1  }
0x76: {  	v5 =	vmul.f32 v5, v5;
	v52 =	vld [tilespmem:s7+$0x780];
	v16 =	vsub.f32 v23, v16;
	v48 =	vsub.f32 v48, v50  }
0x77: {  	v38 =	vld [tilespmem:s7+$0x4800];
	v46 =	vmul.f32 v46, v49;
	v50 =	vsub.f32 v63, v57;
	v12 =	vsub.f32 v56, v42  }
0x78: {  	v23 =	vld [tilespmem:s7+$0x800];
	v4 =	vmax.f32 v4, $0.0e+00;
	v9 =	vmul.f32 v9, v10;
	v36 =	vadd.f32 v42, v56  }
0x79: {  	v53 =	vld [tilespmem:s7+$0x900];
	v16 =	vmax.f32 v16, $0.0e+00;
	v39 =	vmul.f32 v50, v50;
	v18 =	vmax.f32 v18, v12  }
0x7a: {  	v49 =	vld [tilespmem:s7+$0x880];
	v61 =	vmax.f32 v58, v12;
	v12 =	vsub.f32 v36, v12;
	v35 =	vmin.f32 v35, v36  }
0x7b: {  	v9 =	vmul.f32 v9, v17;
	v36 =	vmin.f32 v37, v36;
	v58 =	vld [tilespmem:s7+$0x980];
	v18 =	vsub.f32 v35, v18  }
0x7c: {  	v36 =	vsub.f32 v36, v61;
	v35 =	vmul.f32 v62, v47;
	v61 =	vld [tilespmem:s7+$0x4980];
	v12 =	vmul.f32 v12, v19  }
0x7d: {  	v50 =	vld [tilespmem:s7+$0x4A80];
	v23 =	vsub.f32 v23, v38;
	v2 =	vadd.f32 v9, v9;
	v18 =	vmax.f32 v18, $0.0e+00  }
0x7e: {  	v19 =	vld [tilespmem:s7+$0x4880];
	v43 =	vmul.f32 v18, v4;
	v4 =	vadd.f32 v46, v12;
	v18 =	vmax.f32 v36, $0.0e+00  }
0x7f: {  	v17 =	vld [tilespmem:s7+$0x4480];
	v2 =	vsub.f32 v14, v2;
	v12 =	vadd.f32 v35, v12;
	v57 =	vmul.f32 v18, v16  }
0x80: {  	v62 =	vld [tilespmem:s7+$0x4780];
	v16 =	vadd.f32 v39, v33;
	v56 =	vsub.f32 v4, v43;
	v4 =	vmul.f32 v29, v29  }
0x81: {  	v38 =	vld [tilespmem:s7+$0xE80];
	v14 =	vsel vm1, $0x3F000000, v0;
	v36 =	vsub.f32 v58, v61;
	v59 =	vsub.f32 v12, v57  }
0x82: {  	v18 =	vmul.f32 v48, v48;
	v29 =	vld [tilespmem:s7+$0x4400];
	v4 =	vadd.f32 v4, v11;
	v11 =	vadd.f32 v5, v16  }
0x83: {  	v58 =	vld [tilespmem:s7+$0x480];
	v47 =	vsub.f32 v49, v19;
	v60 =	vmul.f32 v57, v56;
	v16 =	vmul.f32 v59, v43  }
0x84: {  	v39 =	vmul.f32 v3, v14;
	v12 =	vld [tilespmem:s7+$0xA00];
	v37 =	vadd.f32 v31, v4;
	v31 =	vadd.f32 v18, v11  }
0x85: {  	v49 =	vld [tilespmem:s7+$0xA80];
	v4 =	vmul.f32 v15, v15;
	v18 =	vsel vm0, $0x3F800000, v0;
	vm0 =	vgt.f32 v60, v16  }
0x86: {  	v19 =	vsub.f32 v53, v54;
	v53 =	vsub.f32 v52, v62;
	v5 =	vld [tilespmem:s7+$0x4300];
	v13 =	vsel vm0, v13, v30  }
0x87: {  	v15 =	vld [tilespmem:s7+$0x4A00];
	v16 =	vsel vm0, v55, v32;
	v63 =	vadd.f32 v4, v8;
	v22 =	vsel vm0, v26, v22  }
0x88: {  	v30 =	vld [tilespmem:s7+$0x4280];
	v4 =	vsel vm0, v24, v7;
	v24 =	vsel vm0, v59, v56;
	v7 =	vsel vm0, v29, v27  }
0x89: {  	v26 =	vsub.f32 v45, v51;
	v29 =	vld [tilespmem:s7+$0xB00];
	v54 =	vsel vm0, v57, v43;
	v11 =	vmul.f32 v16, v13  }
0x8a: {  	v55 =	vld [tilespmem:s7+$0x4B00];
	v25 =	vsel vm0, v28, v25;
	v41 =	vadd.f32 v34, v37;
	v45 =	vmul.f32 v47, v47  }
0x8b: {  	v59 =	vld [tilespmem:s7+$0x200];
	(erf) = vrcp.f32 v24;
	v27 =	vshra.s32 v11, $0x1;
	v57 =	vmul.f32 $5.000000000e-01, v11  }
0x8c: {  	v28 =	vld [tilespmem:s7+$0xC80];
	v8 =	vmul.f32 v7, v4;
	v40 =	vadd.f32 v2, v63;
	v56 =	vsub.s32 $0x5F3759DF, v27  }
0x8d: {  	v34 =	vld [tilespmem:s7+$0xE00];
	v2 =	vsub.f32 v58, v17;
	v17 =	vmul.f32 v23, v23;
	v20 =	vmul.f32 v56, v57  }
0x8e: {  	v32 =	vsub.f32 v49, v50;
	v24 =	vld [tilespmem:s7+$0xB80];
	v9 =	vmul.f32 $5.000000000e-01, v8;
	v27 =	vmul.f32 v26, v26  }
0x8f: {  	s8 =	sadd.s32 $0x1, s8;
	v23 =	vld [tilespmem:s7+$0x4D00];
	v10 =	vsel vm0, v30, v21;
	v21 =	vmul.f32 v53, v53;
	v60 =	vmul.f32 v56, v20  }
0x90: {  	p1 =	sne.s32 s4, s8;
	v30 =	vsub.f32 v22, v10;
	v10 =	vshra.s32 v8, $0x1;
	v31 =	vadd.f32 v27, v31;
	v20 =	vld [tilespmem:s7+$0x4200]  }
.Ltmp2:
0x91: {  	v26 =	vld [tilespmem:s7+$0x4B80];
	v63 =	vmul.f32 $5.000000000e+00, v40;
	v10 =	vsub.s32 $0x5F3759DF, v10;
	v35 =	vsub.f32 $1.500000000e+00, v60;
	(pc) =	sbr.rel @!p1 .LBB2_4-.Ltmp2, $4  }
0x92: {  	v29 =	vsub.f32 v29, v55;
	v22 =	vld [tilespmem:s7+$0xC00];
	v61 =	vmul.f32 v10, v9;
	v62 =	vadd.f32 v21, v31  }
0x93: {  	v33 =	vsel vm0, v58, v59;
	v27 =	vld [tilespmem:s7+$0x4C00];
	v42 =	vadd.f32 v63, v6;
	v40 =	vmul.f32 v56, v35  }
0x94: {  	v6 =	vimm.f32 $0.0e+00;
	v21 =	vld [tilespmem:s7+$0xD00];
	v31 =	vpop (erf);
	v37 =	vmul.f32 v10, v61;
	v44 =	vadd.f32 v17, v62  }
0x95: {  	p0 =	por $0x1, $0x1;
	v31 =	vmul.f32 v31, v54;
	v35 =	vld [tilespmem:s7+$0xD80];
	v3 =	vsub.f32 v59, v20;
	v43 =	vmul.f32 v40, v57  }
.LBB2_5:
0x96: {  	s9 =	sshrl.u32 s8, $0x3;
	s8 =	sadd.s32 $0x1, s8;
	v12 =	vsub.f32 v12, v15;
	v14 =	vsub.f32 v24, v26  }
0x97: {  	v19 =	vmul.f32 v19, v19;
	s9 =	smul.u32 $0xF80, s9;
	p1 =	sne.s32 s4, s8;
	v15 =	vmul.f32 v43, v40;
	v17 =	vadd.f32 v45, v44  }
0x98: {  	v24 =	vmul.f32 v30, v30;
	v30 =	vadd.f32 v16, v13;
	s5 =	sadd.s32 $0x10, s5;
	v16 =	vadd.f32 v41, v42;
	v13 =	vld [tilespmem:s7+$0x4E80]  }
0x99: {  	s6 =	sadd.s32 $0x10, s6;
	s9 =	sadd.s32 s9, s5;
	v15 =	vsub.f32 $1.500000000e+00, v15;
	v17 =	vadd.f32 v19, v17;
	v19 =	vmul.f32 v36, v36;
	v36 =	vld [tilespmem:s7+$0x4C80]  }
0x9a: {  	v41 =	vsub.f32 v22, v27;
	vm1 =	veq.f32 v20, $0.0e+00;
	s10 =	sand.u32 $0x70, s6;
	v16 =	vmul.f32 v16, v18;
	s9 =	sand.u32 $0xFFFFFF80, s9;
	v42 =	vld [tilespmem:s7+$0x4E00]  }
0x9b: {  	v12 =	vmul.f32 v12, v12;
	v15 =	vmul.f32 v15, v40;
	v17 =	vadd.f32 v19, v17;
	v18 =	vld [tilespmem:s7+$0x4D80];
	s7 =	sor.u32 s10, s9  }
0x9c: {  	v1 =	vsel vm0, v5, v1;
	vm0 =	vgt.f32 v20, $0.0e+00;
	v5 =	vadd.f32 v16, v39;
	v22 =	vld [tilespmem:s7+$0x180]  }
0x9d: {  	v16 =	vmul.f32 v32, v32;
	v20 =	vld [tilespmem:s7+$0x0];
	v12 =	vadd.f32 v12, v17;
	v19 =	vsub.f32 v38, v13  }
0x9e: {  	v13 =	vsub.f32 v25, v1;
	v1 =	vmul.f32 v15, v11;
	v26 =	vld [tilespmem:s7+$0x400];
	v15 =	vsub.f32 v28, v36  }
0x9f: {  	v6 =	vadd.f32 v5, v6;
	v11 =	vld [tilespmem:s7+$0x380];
	v12 =	vadd.f32 v16, v12;
	v16 =	vmul.f32 v29, v29  }
0xa0: {  	v17 =	vsub.f32 v33, v31;
	v25 =	vld [tilespmem:s7+$0x80];
	v5 =	vsub.f32 v35, v18  }
0xa1: {  	v1 =	vadd.f32 v1, v1;
	v18 =	vmul.f32 v14, v14;
	v27 =	vld [tilespmem:s7+$0x280];
	v12 =	vadd.f32 v16, v12  }
0xa2: {  	v32 =	vsub.f32 $1.500000000e+00, v37;
	v33 =	vsub.f32 v34, v42;
	v14 =	vmul.f32 v19, v19;
	v16 =	vld [tilespmem:s7+$0x100]  }
0xa3: {  	v19 =	vsub.f32 v30, v1;
	v31 =	vld [tilespmem:s7+$0x300];
	v1 =	vadd.f32 v18, v12;
	v12 =	vmul.f32 v41, v41  }
0xa4: {  	v15 =	vmul.f32 v15, v15;
	v30 =	vsub.f32 v21, v23;
	v28 =	vld [tilespmem:s7+$0x4180];
	v18 =	vmul.f32 $5.000000000e-01, v11  }
0xa5: {  	v34 =	vmul.f32 $1.428571490e-01, v20;
	v29 =	vld [tilespmem:s7+$0x4100];
	v35 =	vmul.f32 $1.428571490e-01, v25;
	v12 =	vadd.f32 v12, v1  }
0xa6: {  	v36 =	vmul.f32 $5.000000000e-01, v22;
	v23 =	vadd.f32 v19, v4;
	v1 =	vld [tilespmem:s7+$0x4080];
	v37 =	vmul.f32 $1.428571490e-01, v27  }
0xa7: {  	v21 =	vld [tilespmem:s7+$0x4000];
	v4 =	vmul.f32 $5.000000000e-01, v16;
	v12 =	vadd.f32 v15, v12;
	v15 =	vmul.f32 v30, v30  }
0xa8: {  	v19 =	vsub.f32 v35, v36;
	v30 =	vmul.f32 $5.000000000e-01, v26;
	v38 =	vadd.f32 v18, v37;
	v39 =	vld [tilespmem:s7+$0x500]  }
0xa9: {  	v35 =	vadd.f32 v36, v35;
	v36 =	vmul.f32 $1.428571490e-01, v31;
	v40 =	vsub.f32 v34, v4;
	v41 =	vld [tilespmem:s7+$0x4500]  }
0xaa: {  	v18 =	vsub.f32 v37, v18;
	v4 =	vadd.f32 v4, v34;
	v42 =	vmul.f32 $5.000000000e-01, v29;
	v34 =	vld [tilespmem:s7+$0x4580]  }
0xab: {  	v43 =	vmul.f32 $5.000000000e-01, v28;
	v44 =	vsub.f32 v36, v30;
	v37 =	vmul.f32 $1.428571490e-01, v1;
	v45 =	vld [tilespmem:s7+$0x600]  }
0xac: {  	v47 =	vsub.f32 v35, v19;
	v12 =	vadd.f32 v15, v12;
	v46 =	vmul.f32 $1.428571490e-01, v21;
	v48 =	vld [tilespmem:s7+$0x4600]  }
0xad: {  	v10 =	vmul.f32 v10, v32;
	v49 =	vsub.f32 v38, v18;
	v15 =	vsub.f32 v37, v43;
	v50 =	vld [tilespmem:s7+$0x680]  }
0xae: {  	v33 =	vmul.f32 v33, v33;
	v51 =	vsub.f32 v4, v40;
	v32 =	vadd.f32 v42, v46;
	v52 =	vld [tilespmem:s7+$0x4680]  }
0xaf: {  	v9 =	vmul.f32 v10, v9;
	v37 =	vadd.f32 v43, v37;
	v42 =	vsub.f32 v46, v42;
	v43 =	vld [tilespmem:s7+$0x700]  }
0xb0: {  	v30 =	vadd.f32 v30, v36;
	v19 =	vmax.f32 v19, v15;
	v36 =	vmax.f32 v44, v15;
	v46 =	vld [tilespmem:s7+$0x4700]  }
0xb1: {  	v15 =	vsub.f32 v37, v15;
	v35 =	vmin.f32 v35, v37;
	v18 =	vmax.f32 v18, v42;
	v53 =	vld [tilespmem:s7+$0x780]  }
0xb2: {  	v4 =	vmin.f32 v4, v32;
	v19 =	vsub.f32 v35, v19;
	v35 =	vsub.f32 v30, v44;
	v44 =	vld [tilespmem:s7+$0x800]  }
0xb3: {  	v40 =	vmax.f32 v40, v42;
	v38 =	vmin.f32 v38, v32;
	v54 =	vld [tilespmem:s7+$0x580];
	v50 =	vsub.f32 v50, v52  }
0xb4: {  	v32 =	vsub.f32 v32, v42;
	v18 =	vsub.f32 v38, v18;
	v19 =	vmax.f32 v19, $0.0e+00;
	v38 =	vld [tilespmem:s7+$0x4800]  }
0xb5: {  	v30 =	vmin.f32 v30, v37;
	v4 =	vsub.f32 v4, v40;
	v40 =	vmul.f32 v47, v51;
	v37 =	vld [tilespmem:s7+$0x880]  }
0xb6: {  	v30 =	vsub.f32 v30, v36;
	v35 =	vmul.f32 v35, v49;
	v18 =	vmax.f32 v18, $0.0e+00;
	v36 =	vld [tilespmem:s7+$0x4880]  }
0xb7: {  	v42 =	vmul.f32 v5, v5;
	v15 =	vmul.f32 v15, v32;
	v4 =	vmax.f32 v4, $0.0e+00;
	v32 =	vld [tilespmem:s7+$0x900]  }
0xb8: {  	v47 =	vmul.f32 v19, v4;
	v4 =	vsub.f32 v39, v41;
	v5 =	vsub.f32 v54, v34;
	v19 =	vld [tilespmem:s7+$0x4900]  }
0xb9: {  	v30 =	vmax.f32 v30, $0.0e+00;
	v34 =	vadd.f32 v40, v15;
	v40 =	vsub.f32 v45, v48;
	v39 =	vld [tilespmem:s7+$0x4380]  }
0xba: {  	v4 =	vmul.f32 v4, v4;
	v15 =	vadd.f32 v35, v15;
	v35 =	vld [tilespmem:s7+$0x4400];
	v5 =	vmul.f32 v5, v5  }
0xbb: {  	v30 =	vmul.f32 v30, v18;
	v34 =	vsub.f32 v34, v47;
	v45 =	vsub.f32 v37, v36;
	v36 =	vld [tilespmem:s7+$0x980]  }
0xbc: {  	v18 =	vmul.f32 v40, v40;
	v37 =	vmul.f32 v50, v50;
	v4 =	vadd.f32 v5, v4;
	v40 =	vld [tilespmem:s7+$0x4980]  }
0xbd: {  	v42 =	vadd.f32 v42, v12;
	v41 =	vsub.f32 v15, v30;
	v48 =	vmul.f32 v30, v34;
	v5 =	vld [tilespmem:s7+$0x4300]  }
0xbe: {  	v3 =	vmul.f32 v3, v3;
	v2 =	vmul.f32 v2, v2;
	v4 =	vadd.f32 v18, v4;
	v12 =	vld [tilespmem:s7+$0xA00]  }
0xbf: {  	v9 =	vmul.f32 v9, v10;
	v42 =	vadd.f32 v33, v42;
	v49 =	vmul.f32 v41, v47;
	v15 =	vld [tilespmem:s7+$0x4A00]  }
0xc0: {  	v18 =	vsel vm0, $0x3F800000, v0;
	v33 =	vadd.f32 v37, v4;
	v37 =	vld [tilespmem:s7+$0x4780];
	v4 =	vmul.f32 v13, v13  }
0xc1: {  	v9 =	vsub.f32 $1.500000000e+00, v9;
	v19 =	vsub.f32 v32, v19;
	vm0 =	vgt.f32 v48, v49;
	v32 =	vld [tilespmem:s7+$0xA80]  }
0xc2: {  	v13 =	vsel vm0, v11, v16;
	v16 =	vsel vm0, v39, v29;
	v29 =	vld [tilespmem:s7+$0x4A80];
	v39 =	vadd.f32 v4, v24  }
0xc3: {  	v20 =	vsel vm0, v27, v20;
	v11 =	vmul.f32 v16, v13;
	v4 =	vsel vm0, v26, v22;
	v22 =	vld [tilespmem:s7+$0x4280]  }
0xc4: {  	v27 =	vsel vm0, v41, v34;
	v28 =	vsel vm0, v35, v28;
	v26 =	vsub.f32 v43, v46;
	v34 =	vld [tilespmem:s7+$0xB00]  }
0xc5: {  	v24 =	vshra.s32 v11, $0x1;
	v35 =	vmul.f32 v28, v4;
	v37 =	vsub.f32 v53, v37;
	v41 =	vld [tilespmem:s7+$0x4B00]  }
0xc6: {  	v9 =	vmul.f32 v9, v10;
	v43 =	vsel vm0, v30, v47;
	v46 =	vsub.s32 $0x5F3759DF, v24;
	v24 =	vld [tilespmem:s7+$0xB80]  }
0xc7: {  	v23 =	vadd.f32 v23, v7;
	v7 =	vmovc v28;
	v47 =	vmul.f32 v26, v26;
	v26 =	vld [tilespmem:s7+$0x4B80];
	(erf) = vrcp.f32 v27  }
0xc8: {  	v48 =	vmul.f32 $5.000000000e-01, v11;
	v10 =	vsel vm0, v22, v21;
	v21 =	vmul.f32 v37, v37;
	v22 =	vld [tilespmem:s7+$0xC00]  }
0xc9: {  	v9 =	vmul.f32 v9, v8;
	v36 =	vsub.f32 v36, v40;
	v8 =	vmovc v35;
	v30 =	vsub.f32 v20, v10;
	v27 =	vld [tilespmem:s7+$0x4C00]  }
0xca: {  	v3 =	vadd.f32 v2, v3;
	v37 =	vsub.f32 v44, v38;
	v10 =	vshra.s32 v8, $0x1;
	v35 =	vld [tilespmem:s7+$0x4480]  }
0xcb: {  	v2 =	vadd.f32 v9, v9;
	v32 =	vsub.f32 v32, v29;
	v10 =	vsub.s32 $0x5F3759DF, v10;
	v38 =	vld [tilespmem:s7+$0x480]  }
0xcc: {  	v40 =	vmul.f32 v46, v48;
	v9 =	vmul.f32 $5.000000000e-01, v8;
	v33 =	vadd.f32 v47, v33;
	v44 =	vld [tilespmem:s7+$0x200]  }
0xcd: {  	v2 =	vsub.f32 v23, v2;
	v47 =	vsel vm1, $0x3F000000, v0;
	v29 =	vsub.f32 v34, v41;
	v28 =	vld [tilespmem:s7+$0xC80]  }
0xce: {  	v23 =	vmul.f32 v46, v40;
	v50 =	vadd.f32 v21, v33;
	v49 =	vmul.f32 v10, v9;
	v20 =	vld [tilespmem:s7+$0x4200]  }
0xcf: {  	v17 =	vmul.f32 v17, v17;
	v25 =	vsel vm0, v31, v25;
	v34 =	vadd.f32 v2, v39;
	v21 =	vld [tilespmem:s7+$0xD00]  }
.Ltmp3:
0xd0: {  	v39 =	vsub.f32 $1.500000000e+00, v23;
	v51 =	vmul.f32 v37, v37;
	v2 =	vsub.f32 v38, v35;
	v23 =	vld [tilespmem:s7+$0x4D00];
	v31 =	vpop (erf);
	(pc) =	sbr.rel @p1 .LBB2_5-.Ltmp3, $4  }
0xd1: {  	v31 =	vmul.f32 v31, v43;
	v33 =	vsel vm0, v38, v44;
	v35 =	vld [tilespmem:s7+$0xD80];
	v43 =	vmul.f32 $5.000000000e+00, v34  }
0xd2: {  	v41 =	vadd.f32 v14, v42;
	v40 =	vmul.f32 v46, v39;
	v39 =	vmul.f32 v3, v47;
	v34 =	vld [tilespmem:s7+$0xE00]  }
0xd3: {  	v37 =	vmul.f32 v10, v49;
	v3 =	vsub.f32 v44, v20;
	v38 =	vld [tilespmem:s7+$0xE80];
	v42 =	vadd.f32 v43, v17  }
0xd4: {  	v45 =	vmul.f32 v45, v45;
	v43 =	vmul.f32 v40, v48;
	v44 =	vadd.f32 v51, v50  }
0xd5: {  	s9 =	smov.u32 s7;
	v14 =	vmov v7;
	v17 =	vmov v8  }
.LBB2_7:
0xd6: {  	v7 =	vadd.f32 v45, v44;
	v8 =	vmul.f32 v19, v19  }
0xd7: {  	v12 =	vsub.f32 v12, v15;
	v59 =	vmul.f32 v43, v40  }
0xd8: {  	v58 =	vmul.f32 v36, v36;
	v60 =	vsub.f32 $1.500000000e+00, v37;
	v7 =	vadd.f32 v8, v7  }
0xd9: {  	v62 =	vsub.f32 $1.500000000e+00, v59  }
0xda: {  	v61 =	vmul.f32 v12, v12;
	v10 =	vmul.f32 v10, v60;
	v7 =	vadd.f32 v58, v7  }
0xdb: {  	v63 =	vmul.f32 v32, v32;
	v12 =	vmul.f32 v62, v40  }
0xdc: {  	v32 =	vld [tilespmem:s9+$0x4C80];
	v36 =	vsub.f32 v24, v26;
	v9 =	vmul.f32 v10, v9;
	v7 =	vadd.f32 v61, v7  }
0xdd: {  	v37 =	vmul.f32 v29, v29;
	v13 =	vadd.f32 v16, v13;
	v11 =	vmul.f32 v12, v11  }
0xde: {  	v50 =	vsub.f32 v21, v23;
	v9 =	vmul.f32 v9, v10;
	v7 =	vadd.f32 v63, v7  }
0xdf: {  	v40 =	vsub.f32 v22, v27;
	v11 =	vadd.f32 v11, v11  }
0xe0: {  	v45 =	vld [tilespmem:s9+$0x4D80];
	v43 =	vmul.f32 v36, v36;
	v9 =	vsub.f32 $1.500000000e+00, v9;
	v7 =	vadd.f32 v37, v7  }
0xe1: {  	v1 =	vsel vm0, v5, v1;
	v15 =	vsub.f32 v28, v32;
	v48 =	vsub.f32 v13, v11  }
0xe2: {  	v47 =	vld [tilespmem:s9+$0x4E00];
	v46 =	vmul.f32 v40, v40;
	v9 =	vmul.f32 v9, v10;
	v7 =	vadd.f32 v43, v7  }
0xe3: {  	v44 =	vmul.f32 v30, v30;
	v1 =	vsub.f32 v25, v1;
	v4 =	vadd.f32 v48, v4  }
0xe4: {  	v51 =	vld [tilespmem:s9+$0x4E80];
	v49 =	vmul.f32 v15, v15;
	v52 =	vmul.f32 v9, v17;
	v7 =	vadd.f32 v46, v7  }
0xe5: {  	v1 =	vmul.f32 v1, v1;
	v53 =	vsub.f32 v35, v45;
	v4 =	vadd.f32 v4, v14  }
0xe6: {  	v54 =	vmul.f32 v50, v50;
	v5 =	vadd.f32 v52, v52;
	v7 =	vadd.f32 v49, v7  }
0xe7: {  	v55 =	vsub.f32 v34, v47;
	v1 =	vadd.f32 v1, v44  }
0xe8: {  	v9 =	vmul.f32 v53, v53;
	v4 =	vsub.f32 v4, v5;
	v7 =	vadd.f32 v54, v7  }
0xe9: {  	v57 =	vsub.f32 v33, v31;
	v56 =	vsub.f32 v38, v51  }
0xea: {  	v58 =	vmul.f32 v55, v55;
	v1 =	vadd.f32 v4, v1;
	v7 =	vadd.f32 v9, v7  }
0xeb: {  	v61 =	vmul.f32 v57, v57  }
0xec: {  	v59 =	vmul.f32 v56, v56;
	v1 =	vmul.f32 $5.000000000e+00, v1;
	v60 =	vadd.f32 v58, v7  }
0xed: {  	v3 =	vmul.f32 v3, v3;
	v8 =	vadd.f32 @p0 v41, v42  }
0xee: {  	v2 =	vmul.f32 v2, v2;
	v1 =	vadd.f32 v1, v61;
	v4 =	vadd.f32 v59, v60  }
0xef: {  	vm15 =	veq.f32 v20, $0.0e+00;
	v5 =	vmul.f32 @p0 v8, v18  }
0xf0: {  	vm1 =	vgt.f32 v20, $0.0e+00;
	v2 =	vadd.f32 v2, v3;
	v1 =	vadd.f32 v4, v1  }
0xf1: {  	v62 =	vsel vm1, $0x3F800000, v0;
	v63 =	vsel vm15, $0x3F000000, v0;
	v3 =	vadd.f32 @p0 v5, v39  }
0xf2: {  	v2 =	vmul.f32 v2, v63;
	v1 =	vmul.f32 v1, v62  }
0xf3: {  	v3 =	vadd.f32 @p0 v3, v6  }
0xf4: {  	v1 =	vadd.f32 v1, v2  }
0xf5: {  	v0 =	vpsel p0, v3, v0  }
0xf6: {  	v0 =	vadd.f32 v1, v0  }
.LBB2_8:
0xf7: {  	_ = 	snop  }
0xf8: {  	s4 =	simm.s32 $0x8000;
	s31 =	simm.s32 $0x3;
	[tilespmem:$0x8000] =	vst v0  }
0xf9: {  	[hbm4b:s3+s2] =	stream.linear.scatter [tilespmem:s4], [sflag:$0x3], $0x80, $0x38;
	[tilespmem:$0x8080] =	vst v63  }
0xfa: {  	_ =	swait.ge [sflag:s31], $0x80  }
0xfb: {  	[sflag:s31] =	ssyncset.done $0x0  }
0xfc: {  	[sflag:s31] =	ssyncadd.s32 $0xFFFFFF80  }
0xfd: {  	_ =	sfence.sel $0x180000  }
0xfe: {  	[bflag:$0x0] =	sbarrier.arrive $0xFFFF  }
0xff: {  	p0 =	sne.s32 s0, $0x0;
	_ =	strace $0x90000047  }
0x100: {  	s0 =	sadd.s32 @!p0 $0x100000, s1;
	[bflag:$0x2] =	sbarrier.arrive $0xFFFF  }
0x101: {  	[sflag:s0] =	ssyncadd.tile.s32 @!p0 $0x1;
	_ =	shalt  }
.LBB2_2:
.Ltmp4:
0x102: {  	(pc) =	sbr.rel .LBB2_7-.Ltmp4, $2  }
0x103: {  	_ =	sdelay $0x2  }
0x104: {  	v6 =	vimm.f32 $0.0e+00  }
.LBB2_4:
.Ltmp5:
0x105: {  	(pc) =	sbr.rel .LBB2_7-.Ltmp5, $2  }
0x106: {  	_ =	sdelay $0x2  }
0x107: {  	s9 =	smov.u32 s7;
	v6 =	vimm.f32 $0.0e+00;
	v14 =	vmov v7;
	v17 =	vmov v8  }
.Lfunc_end2:
_tile_overlayer_lowered:
.L_overlay_start_2:
0x108: {  	(tag) =	ssettag $0x2  }
0x109: {  	s0 =	rddreg [dreg:$0x0];
	s2 =	stileid.u32  }
0x10a: {  	s1 =	rddreg [dreg:$0x1];
	p0 =	sne.s32 s2, $0x0  }
0x10b: {  	s3 =	rddreg [dreg:$0x2];
	[bflag:$0x3] =	sbarrier.arrive $0xFFFF;
	s2 =	simm.s32 @!p0 $0x1C03  }
0x10c: {  	[timem:s3], [sflag:s2] =	dma.local @!p0 [hbm:s0], s1  }
0x10d: {  	s0 =	simm.s32 @!p0 $0x3  }
0x10e: {  	_ =	swait.ge @!p0 [sflag:s0], s1  }
0x10f: {  	s1 =	ssub.s32 @!p0 $0x0, s1;
	[sflag:s0] =	ssyncset.done @!p0 $0x0  }
0x110: {  	[sflag:s0] =	ssyncadd.s32 @!p0 s1  }
0x111: {  	[bflag:$0x3] =	sbarrier.arrive $0xFFFF  }
0x112: {  	_ =	shalt  }

</sc_bundles>
